<compile_context>
chip_gen: v7x
topology: tpu7x:2x2x1
jax: 0.10.2.dev20260603
libtpu: 0.0.44.dev20260713+nightly
codegen_flags: <defaults>
</compile_context>

<pallas_src>
import functools

import jax
import jax.numpy as jnp
from jax import lax
from jax.experimental import pallas as pl
from jax.experimental.pallas import tpu as pltpu
from jax.experimental.pallas import tpu_sc as plsc

EMBED_DIM = 64
LANES = 16
TILE_W = 128
CHUNK = 1
SLOTS = 7
PREF = 5


@functools.lru_cache(maxsize=None)
def _make_kernel(batch, num_rows):
    info = plsc.get_sparse_core_info()
    num_cores, num_subcores = info.num_cores, info.num_subcores
    num_workers = num_cores * num_subcores
    b_per_w = batch // num_workers
    n_chunks = b_per_w // CHUNK
    assert b_per_w % CHUNK == 0
    mesh = plsc.VectorSubcoreMesh(core_axis_name="c", subcore_axis_name="s")

    lane_iota = lambda: lax.iota(jnp.int32, LANES)

    @functools.partial(
        pl.kernel,
        mesh=mesh,
        out_type=jax.ShapeDtypeStruct((batch,), jnp.float32),
        compiler_params=pltpu.CompilerParams(
            use_tc_tiling_on_sc=True, needs_layout_passes=False),
        scratch_types=[
            pltpu.VMEM((b_per_w,), jnp.int32),
            pltpu.VMEM((b_per_w,), jnp.int32),
            pltpu.VMEM((b_per_w,), jnp.int32),
            pltpu.VMEM((b_per_w,), jnp.int32),
            pltpu.VMEM((SLOTS, CHUNK, EMBED_DIM, TILE_W), jnp.float32),
            pltpu.VMEM((SLOTS, CHUNK, EMBED_DIM, TILE_W), jnp.float32),
            pltpu.VMEM((b_per_w,), jnp.float32),
        ] + [pltpu.SemaphoreType.DMA] * SLOTS,
    )
    def mf_bpr(uid_hbm, iid_hbm, utT_hbm, itT_hbm, out_hbm,
               utoff_v, itoff_v, ulane_v, ilane_v, ubuf_v, ibuf_v,
               scores_v, *sems):
        wid = lax.axis_index("s") * num_cores + lax.axis_index("c")
        base = wid * b_per_w
        pltpu.sync_copy(uid_hbm.at[pl.ds(base, b_per_w)], utoff_v)
        pltpu.sync_copy(iid_hbm.at[pl.ds(base, b_per_w)], itoff_v)

        def split(v, _):
            s = pl.ds(v * LANES, LANES)
            ru = utoff_v[s]
            ri = itoff_v[s]
            ulane_v[s] = ru & (TILE_W - 1)
            ilane_v[s] = ri & (TILE_W - 1)
            utoff_v[s] = ru - (ru & (TILE_W - 1))
            itoff_v[s] = ri - (ri & (TILE_W - 1))
            return _

        lax.fori_loop(0, b_per_w // LANES, split, 0)


        def splat_at(ref, i):
            return plsc.load_gather(ref, [jnp.full((LANES,), i, jnp.int32)])

        def fire(c, slot):
            sem = sems[slot]
            for j in range(CHUNK):
                i = c * CHUNK + j
                tu = splat_at(utoff_v, i)[0]
                ti = splat_at(itoff_v, i)[0]
                pltpu.async_copy(
                    utT_hbm.at[:, pl.ds(pl.multiple_of(tu, TILE_W), TILE_W)],
                    ubuf_v.at[slot, j], sem)
                pltpu.async_copy(
                    itT_hbm.at[:, pl.ds(pl.multiple_of(ti, TILE_W), TILE_W)],
                    ibuf_v.at[slot, j], sem)

        def drain(slot):
            sem = sems[slot]
            for j in range(CHUNK):
                pltpu.make_async_copy(
                    utT_hbm.at[:, pl.ds(0, TILE_W)], ubuf_v.at[slot, j], sem
                ).wait()
                pltpu.make_async_copy(
                    itT_hbm.at[:, pl.ds(0, TILE_W)], ibuf_v.at[slot, j], sem
                ).wait()

        def extract(c, slot):
            lane0 = lane_iota() == 0
            for j in range(CHUNK):
                i = c * CHUNK + j
                ul = splat_at(ulane_v, i)
                il = splat_at(ilane_v, i)
                acc = None
                for cb in range(EMBED_DIM // LANES):
                    cvec = cb * LANES + lane_iota()
                    u = plsc.load_gather(ubuf_v.at[slot, j], [cvec, ul])
                    v = plsc.load_gather(ibuf_v.at[slot, j], [cvec, il])
                    acc = u * v if acc is None else acc + u * v
                score = jnp.full((LANES,), jnp.sum(acc), jnp.float32)
                plsc.store_scatter(
                    scores_v, [jnp.full((LANES,), i, jnp.int32)], score,
                    mask=lane0)

        for k in range(PREF):
            fire(k, k)

        def step(c, fire_slot, dx_slot):
            @pl.when(c + PREF < n_chunks)
            def _fire_next():
                fire(c + PREF, fire_slot)

            @pl.when(c < n_chunks)
            def _dx():
                drain(dx_slot)
                extract(c, dx_slot)

        def body(p, _):
            c = p * SLOTS
            for q in range(SLOTS):
                step(c + q, (q + PREF) % SLOTS, q)
            return _

        lax.fori_loop(0, (n_chunks + SLOTS - 1) // SLOTS, body, 0)
        pltpu.sync_copy(scores_v, out_hbm.at[pl.ds(base, b_per_w)])

    return mf_bpr


def kernel(user_ids, item_ids, user_table, item_table):
    batch = user_ids.shape[0]
    k = _make_kernel(batch, user_table.shape[0])
    return k(user_ids, item_ids, user_table.T, item_table.T)

# --- scband reference (transcript-rebuilt; emitter-appended) ---
"""Pipeline reference for scband-mf-bpr-22917945491465 (READ-ONLY COPY).

The authoritative reference and input builder live on the scoring server;
editing this copy changes nothing except your own understanding.
"""

import jax, jax.numpy as jnp
import numpy as np

NUM_USERS = 1000000
NUM_ITEMS = 1000000
EMBED_DIM = 64
BATCH = 16384

def _xavier_normal(key, shape):
    fan_in, fan_out = shape[1], shape[0]
    std = float(np.sqrt(2.0 / (fan_in + fan_out)))
    return jax.random.normal(key, shape, dtype=jnp.float32) * std

def setup_inputs(seed: int = 0) -> dict:
    key = jax.random.key(seed)
    k_u, k_i, k_ut, k_it = jax.random.split(key, 4)
    user_ids = jax.random.randint(k_u, (BATCH,), 0, NUM_USERS, dtype=jnp.int64) if jax.config.jax_enable_x64 else jax.random.randint(k_u, (BATCH,), 0, NUM_USERS, dtype=jnp.int32)
    item_ids = jax.random.randint(k_i, (BATCH,), 0, NUM_ITEMS, dtype=jnp.int32)
    user_ids = user_ids.astype(jnp.int32)
    user_table = _xavier_normal(k_ut, (NUM_USERS, EMBED_DIM))
    item_table = _xavier_normal(k_it, (NUM_ITEMS, EMBED_DIM))
    return {"user_ids": user_ids, "item_ids": item_ids, "user_table": user_table, "item_table": item_table}

def reference(user_ids, item_ids, user_table, item_table):
    user_emb = jnp.take(user_table, user_ids, axis=0)
    item_emb = jnp.take(item_table, item_ids, axis=0)
    scores = (user_emb * item_emb).sum(axis=1)
    return scores

if __name__ == "__main__":
    import jax
    _d = setup_inputs()
    print(jax.jit(kernel)(*tuple(_d.values())))

</pallas_src>

<mosaic_0001>
#map = affine_map<(d0, d1) -> (0)>
#map1 = affine_map<(d0, d1) -> (0, 0)>
module attributes {stable_mosaic.version = 14 : i64} {
  func.func @mf_bpr(%arg0: i32, %arg1: i32, %arg2: memref<16384xi32, #tpu.memory_space<hbm>>, %arg3: memref<16384xi32, #tpu.memory_space<hbm>>, %arg4: memref<64x1000000xf32, #tpu.memory_space<hbm>>, %arg5: memref<64x1000000xf32, #tpu.memory_space<hbm>>, %arg6: memref<16384xf32, #tpu.memory_space<hbm>>, %arg7: memref<512xi32, #tpu.memory_space<vmem>>, %arg8: memref<512xi32, #tpu.memory_space<vmem>>, %arg9: memref<512xi32, #tpu.memory_space<vmem>>, %arg10: memref<512xi32, #tpu.memory_space<vmem>>, %arg11: memref<7x1x64x128xf32, #tpu.memory_space<vmem>>, %arg12: memref<7x1x64x128xf32, #tpu.memory_space<vmem>>, %arg13: memref<512xf32, #tpu.memory_space<vmem>>, %arg14: memref<!tpu.dma_semaphore, #tpu.memory_space<semaphore_mem>>, %arg15: memref<!tpu.dma_semaphore, #tpu.memory_space<semaphore_mem>>, %arg16: memref<!tpu.dma_semaphore, #tpu.memory_space<semaphore_mem>>, %arg17: memref<!tpu.dma_semaphore, #tpu.memory_space<semaphore_mem>>, %arg18: memref<!tpu.dma_semaphore, #tpu.memory_space<semaphore_mem>>, %arg19: memref<!tpu.dma_semaphore, #tpu.memory_space<semaphore_mem>>, %arg20: memref<!tpu.dma_semaphore, #tpu.memory_space<semaphore_mem>>) attributes {dimension_semantics = [#tpu.dimension_semantics<core_parallel>, #tpu.dimension_semantics<subcore_parallel>], iteration_bounds = array<i64: 2, 16>, scalar_prefetch = 0 : i64, scratch_operands = 14 : i64, tpu.core_type = #tpu.core_type<sc_vector_subcore>, window_params = [{transform_indices = #map}, {transform_indices = #map}, {transform_indices = #map1}, {transform_indices = #map1}, {transform_indices = #map}]} {
    %mul3A = arith.constant 2 : i32
    %mul3A_0 = arith.muli %arg1, %mul3A : i32
    %add3A = arith.addi %mul3A_0, %arg0 : i32
    %mul3A_1 = arith.constant 512 : i32
    %mul3A_2 = arith.muli %add3A, %mul3A_1 : i32
    "tpu.region"() ({
      %run_scoped3A = tpu.sem_alloc : memref<!tpu.dma_semaphore, #tpu.memory_space<semaphore_mem>>
      %dma_start3A_208 = tpu.memref_slice %arg2[%mul3A_2] : memref<16384xi32, #tpu.memory_space<hbm>> -> memref<512xi32, #tpu.memory_space<hbm>>
      %dma_start3A_209 = tpu.memref_slice %arg2[%mul3A_2] : memref<16384xi32, #tpu.memory_space<hbm>> -> memref<512xi32, #tpu.memory_space<hbm>>
      tpu.enqueue_dma source(%dma_start3A_209 : memref<512xi32, #tpu.memory_space<hbm>>) target(%arg7 : memref<512xi32, #tpu.memory_space<vmem>>) target_semaphore(%run_scoped3A : memref<!tpu.dma_semaphore, #tpu.memory_space<semaphore_mem>>)
      %dma_wait3A = tpu.memref_slice %arg2[%mul3A_2] : memref<16384xi32, #tpu.memory_space<hbm>> -> memref<512xi32, #tpu.memory_space<hbm>>
      %dma_wait3A_210 = tpu.memref_slice %arg2[%mul3A_2] : memref<16384xi32, #tpu.memory_space<hbm>> -> memref<512xi32, #tpu.memory_space<hbm>>
      tpu.wait_dma2 semaphore(%run_scoped3A : memref<!tpu.dma_semaphore, #tpu.memory_space<semaphore_mem>>) src(%dma_wait3A_210 : memref<512xi32, #tpu.memory_space<hbm>>) dst(%arg7 : memref<512xi32, #tpu.memory_space<vmem>>)
      tpu.yield
    }) : () -> ()
    "tpu.region"() ({
      %run_scoped3A = tpu.sem_alloc : memref<!tpu.dma_semaphore, #tpu.memory_space<semaphore_mem>>
      %dma_start3A_208 = tpu.memref_slice %arg3[%mul3A_2] : memref<16384xi32, #tpu.memory_space<hbm>> -> memref<512xi32, #tpu.memory_space<hbm>>
      %dma_start3A_209 = tpu.memref_slice %arg3[%mul3A_2] : memref<16384xi32, #tpu.memory_space<hbm>> -> memref<512xi32, #tpu.memory_space<hbm>>
      tpu.enqueue_dma source(%dma_start3A_209 : memref<512xi32, #tpu.memory_space<hbm>>) target(%arg8 : memref<512xi32, #tpu.memory_space<vmem>>) target_semaphore(%run_scoped3A : memref<!tpu.dma_semaphore, #tpu.memory_space<semaphore_mem>>)
      %dma_wait3A = tpu.memref_slice %arg3[%mul3A_2] : memref<16384xi32, #tpu.memory_space<hbm>> -> memref<512xi32, #tpu.memory_space<hbm>>
      %dma_wait3A_210 = tpu.memref_slice %arg3[%mul3A_2] : memref<16384xi32, #tpu.memory_space<hbm>> -> memref<512xi32, #tpu.memory_space<hbm>>
      tpu.wait_dma2 semaphore(%run_scoped3A : memref<!tpu.dma_semaphore, #tpu.memory_space<semaphore_mem>>) src(%dma_wait3A_210 : memref<512xi32, #tpu.memory_space<hbm>>) dst(%arg8 : memref<512xi32, #tpu.memory_space<vmem>>)
      tpu.yield
    }) : () -> ()
    %scan3A = arith.constant 0 : i32
    %scan3A_3 = arith.constant 0 : i32
    %scan3A_4 = arith.constant 32 : i32
    %scan3A_5 = arith.addi %scan3A_3, %scan3A_4 : i32
    %scan3A_6 = arith.constant 1 : i32
    scf.for %scan3A_208 = %scan3A_3 to %scan3A_5 step %scan3A_6  : i32 {
      %mul3A_209 = arith.constant 16 : i32
      %mul3A_210 = arith.muli %scan3A_208, %mul3A_209 : i32
      %get3A = arith.index_cast %mul3A_210 : i32 to index
      %get3A_211 = tpu.vector_load %arg7[%get3A] {strides = array<i32>} : memref<512xi32, #tpu.memory_space<vmem>>, vector<16xi32>,
      %get3A_212 = arith.index_cast %mul3A_210 : i32 to index
      %get3A_213 = tpu.vector_load %arg8[%get3A_212] {strides = array<i32>} : memref<512xi32, #tpu.memory_space<vmem>>, vector<16xi32>,
      %and3A = arith.constant 127 : i32
      %and3A_214 = vector.broadcast %and3A : i32 to vector<16xi32>
      %and3A_215 = arith.andi %get3A_211, %and3A_214 : vector<16xi32>
      %swap3A = arith.index_cast %mul3A_210 : i32 to index
      %swap3A_216 = tpu.vector_load %arg9[%swap3A] {strides = array<i32>} : memref<512xi32, #tpu.memory_space<vmem>>, vector<16xi32>,
      tpu.vector_store %arg9[%swap3A], %and3A_215 {strides = array<i32>} : memref<512xi32, #tpu.memory_space<vmem>>, vector<16xi32>,
      %and3A_217 = arith.constant 127 : i32
      %and3A_218 = vector.broadcast %and3A_217 : i32 to vector<16xi32>
      %and3A_219 = arith.andi %get3A_213, %and3A_218 : vector<16xi32>
      %swap3A_220 = arith.index_cast %mul3A_210 : i32 to index
      %swap3A_221 = tpu.vector_load %arg10[%swap3A_220] {strides = array<i32>} : memref<512xi32, #tpu.memory_space<vmem>>, vector<16xi32>,
      tpu.vector_store %arg10[%swap3A_220], %and3A_219 {strides = array<i32>} : memref<512xi32, #tpu.memory_space<vmem>>, vector<16xi32>,
      %and3A_222 = arith.constant 127 : i32
      %and3A_223 = vector.broadcast %and3A_222 : i32 to vector<16xi32>
      %and3A_224 = arith.andi %get3A_211, %and3A_223 : vector<16xi32>
      %sub3A = arith.subi %get3A_211, %and3A_224 : vector<16xi32>
      %swap3A_225 = arith.index_cast %mul3A_210 : i32 to index
      %swap3A_226 = tpu.vector_load %arg7[%swap3A_225] {strides = array<i32>} : memref<512xi32, #tpu.memory_space<vmem>>, vector<16xi32>,
      tpu.vector_store %arg7[%swap3A_225], %sub3A {strides = array<i32>} : memref<512xi32, #tpu.memory_space<vmem>>, vector<16xi32>,
      %and3A_227 = arith.constant 127 : i32
      %and3A_228 = vector.broadcast %and3A_227 : i32 to vector<16xi32>
      %and3A_229 = arith.andi %get3A_213, %and3A_228 : vector<16xi32>
      %sub3A_230 = arith.subi %get3A_213, %and3A_229 : vector<16xi32>
      %swap3A_231 = arith.index_cast %mul3A_210 : i32 to index
      %swap3A_232 = tpu.vector_load %arg8[%swap3A_231] {strides = array<i32>} : memref<512xi32, #tpu.memory_space<vmem>>, vector<16xi32>,
      tpu.vector_store %arg8[%swap3A_231], %sub3A_230 {strides = array<i32>} : memref<512xi32, #tpu.memory_space<vmem>>, vector<16xi32>,
    }
    %scan3A_7 = arith.constant 32 : i32
    %broadcast_in_dim3A = arith.constant 0 : i32
    %broadcast_in_dim3A_8 = vector.broadcast %broadcast_in_dim3A : i32 to vector<16xi32>
    %gather3A = tpu.vector_load_idx %arg7[%broadcast_in_dim3A_8] : memref<512xi32, #tpu.memory_space<vmem>>[vector<16xi32>], vector<16xi32>,
    %slice3A = vector.extract_strided_slice %gather3A {offsets = [0], sizes = [1], strides = [1]} : vector<16xi32> to vector<1xi32>
    %squeeze3A = vector.extract %slice3A[0] : i32 from vector<1xi32>
    %broadcast_in_dim3A_9 = arith.constant 0 : i32
    %broadcast_in_dim3A_10 = vector.broadcast %broadcast_in_dim3A_9 : i32 to vector<16xi32>
    %gather3A_11 = tpu.vector_load_idx %arg8[%broadcast_in_dim3A_10] : memref<512xi32, #tpu.memory_space<vmem>>[vector<16xi32>], vector<16xi32>,
    %slice3A_12 = vector.extract_strided_slice %gather3A_11 {offsets = [0], sizes = [1], strides = [1]} : vector<16xi32> to vector<1xi32>
    %squeeze3A_13 = vector.extract %slice3A_12[0] : i32 from vector<1xi32>
    %multiple_of3A = tpu.assume_multiple %squeeze3A, 128 : i32
    %dma_start3A = arith.constant 0 : i32
    %dma_start3A_14 = arith.constant 0 : i32
    %dma_start3A_15 = arith.constant 0 : i32
    %dma_start3A_16 = arith.constant 0 : i32
    %dma_start3A_17 = tpu.memref_slice %arg11[%dma_start3A, %dma_start3A_14, %dma_start3A_15, %dma_start3A_16] : memref<7x1x64x128xf32, #tpu.memory_space<vmem>> -> memref<1x1x64x128xf32, #tpu.memory_space<vmem>>
    %dma_start3A_18 = tpu.memref_squeeze %dma_start3A_17 : memref<1x1x64x128xf32, #tpu.memory_space<vmem>> -> memref<64x128xf32, #tpu.memory_space<vmem>>
    %dma_start3A_19 = arith.constant 0 : i32
    %dma_start3A_20 = tpu.memref_slice %arg4[%dma_start3A_19, %multiple_of3A] : memref<64x1000000xf32, #tpu.memory_space<hbm>> -> memref<64x128xf32, #tpu.memory_space<hbm>>
    %dma_start3A_21 = arith.constant 0 : i32
    %dma_start3A_22 = arith.constant 0 : i32
    %dma_start3A_23 = tpu.memref_slice %arg11[%dma_start3A, %dma_start3A_14, %dma_start3A_21, %dma_start3A_22] : memref<7x1x64x128xf32, #tpu.memory_space<vmem>> -> memref<1x1x64x128xf32, #tpu.memory_space<vmem>>
    %dma_start3A_24 = tpu.memref_squeeze %dma_start3A_23 : memref<1x1x64x128xf32, #tpu.memory_space<vmem>> -> memref<64x128xf32, #tpu.memory_space<vmem>>
    %dma_start3A_25 = arith.constant 0 : i32
    %dma_start3A_26 = tpu.memref_slice %arg4[%dma_start3A_25, %multiple_of3A] : memref<64x1000000xf32, #tpu.memory_space<hbm>> -> memref<64x128xf32, #tpu.memory_space<hbm>>
    tpu.enqueue_dma source(%dma_start3A_26 : memref<64x128xf32, #tpu.memory_space<hbm>>) target(%dma_start3A_24 : memref<64x128xf32, #tpu.memory_space<vmem>>) target_semaphore(%arg14 : memref<!tpu.dma_semaphore, #tpu.memory_space<semaphore_mem>>)
    %multiple_of3A_27 = tpu.assume_multiple %squeeze3A_13, 128 : i32
    %dma_start3A_28 = arith.constant 0 : i32
    %dma_start3A_29 = arith.constant 0 : i32
    %dma_start3A_30 = arith.constant 0 : i32
    %dma_start3A_31 = arith.constant 0 : i32
    %dma_start3A_32 = tpu.memref_slice %arg12[%dma_start3A_28, %dma_start3A_29, %dma_start3A_30, %dma_start3A_31] : memref<7x1x64x128xf32, #tpu.memory_space<vmem>> -> memref<1x1x64x128xf32, #tpu.memory_space<vmem>>
    %dma_start3A_33 = tpu.memref_squeeze %dma_start3A_32 : memref<1x1x64x128xf32, #tpu.memory_space<vmem>> -> memref<64x128xf32, #tpu.memory_space<vmem>>
    %dma_start3A_34 = arith.constant 0 : i32
    %dma_start3A_35 = tpu.memref_slice %arg5[%dma_start3A_34, %multiple_of3A_27] : memref<64x1000000xf32, #tpu.memory_space<hbm>> -> memref<64x128xf32, #tpu.memory_space<hbm>>
    %dma_start3A_36 = arith.constant 0 : i32
    %dma_start3A_37 = arith.constant 0 : i32
    %dma_start3A_38 = tpu.memref_slice %arg12[%dma_start3A_28, %dma_start3A_29, %dma_start3A_36, %dma_start3A_37] : memref<7x1x64x128xf32, #tpu.memory_space<vmem>> -> memref<1x1x64x128xf32, #tpu.memory_space<vmem>>
    %dma_start3A_39 = tpu.memref_squeeze %dma_start3A_38 : memref<1x1x64x128xf32, #tpu.memory_space<vmem>> -> memref<64x128xf32, #tpu.memory_space<vmem>>
    %dma_start3A_40 = arith.constant 0 : i32
    %dma_start3A_41 = tpu.memref_slice %arg5[%dma_start3A_40, %multiple_of3A_27] : memref<64x1000000xf32, #tpu.memory_space<hbm>> -> memref<64x128xf32, #tpu.memory_space<hbm>>
    tpu.enqueue_dma source(%dma_start3A_41 : memref<64x128xf32, #tpu.memory_space<hbm>>) target(%dma_start3A_39 : memref<64x128xf32, #tpu.memory_space<vmem>>) target_semaphore(%arg14 : memref<!tpu.dma_semaphore, #tpu.memory_space<semaphore_mem>>)
    %broadcast_in_dim3A_42 = arith.constant 1 : i32
    %broadcast_in_dim3A_43 = vector.broadcast %broadcast_in_dim3A_42 : i32 to vector<16xi32>
    %gather3A_44 = tpu.vector_load_idx %arg7[%broadcast_in_dim3A_43] : memref<512xi32, #tpu.memory_space<vmem>>[vector<16xi32>], vector<16xi32>,
    %slice3A_45 = vector.extract_strided_slice %gather3A_44 {offsets = [0], sizes = [1], strides = [1]} : vector<16xi32> to vector<1xi32>
    %squeeze3A_46 = vector.extract %slice3A_45[0] : i32 from vector<1xi32>
    %broadcast_in_dim3A_47 = arith.constant 1 : i32
    %broadcast_in_dim3A_48 = vector.broadcast %broadcast_in_dim3A_47 : i32 to vector<16xi32>
    %gather3A_49 = tpu.vector_load_idx %arg8[%broadcast_in_dim3A_48] : memref<512xi32, #tpu.memory_space<vmem>>[vector<16xi32>], vector<16xi32>,
    %slice3A_50 = vector.extract_strided_slice %gather3A_49 {offsets = [0], sizes = [1], strides = [1]} : vector<16xi32> to vector<1xi32>
    %squeeze3A_51 = vector.extract %slice3A_50[0] : i32 from vector<1xi32>
    %multiple_of3A_52 = tpu.assume_multiple %squeeze3A_46, 128 : i32
    %dma_start3A_53 = arith.constant 1 : i32
    %dma_start3A_54 = arith.constant 0 : i32
    %dma_start3A_55 = arith.constant 0 : i32
    %dma_start3A_56 = arith.constant 0 : i32
    %dma_start3A_57 = tpu.memref_slice %arg11[%dma_start3A_53, %dma_start3A_54, %dma_start3A_55, %dma_start3A_56] : memref<7x1x64x128xf32, #tpu.memory_space<vmem>> -> memref<1x1x64x128xf32, #tpu.memory_space<vmem>>
    %dma_start3A_58 = tpu.memref_squeeze %dma_start3A_57 : memref<1x1x64x128xf32, #tpu.memory_space<vmem>> -> memref<64x128xf32, #tpu.memory_space<vmem>>
    %dma_start3A_59 = arith.constant 0 : i32
    %dma_start3A_60 = tpu.memref_slice %arg4[%dma_start3A_59, %multiple_of3A_52] : memref<64x1000000xf32, #tpu.memory_space<hbm>> -> memref<64x128xf32, #tpu.memory_space<hbm>>
    %dma_start3A_61 = arith.constant 0 : i32
    %dma_start3A_62 = arith.constant 0 : i32
    %dma_start3A_63 = tpu.memref_slice %arg11[%dma_start3A_53, %dma_start3A_54, %dma_start3A_61, %dma_start3A_62] : memref<7x1x64x128xf32, #tpu.memory_space<vmem>> -> memref<1x1x64x128xf32, #tpu.memory_space<vmem>>
    %dma_start3A_64 = tpu.memref_squeeze %dma_start3A_63 : memref<1x1x64x128xf32, #tpu.memory_space<vmem>> -> memref<64x128xf32, #tpu.memory_space<vmem>>
    %dma_start3A_65 = arith.constant 0 : i32
    %dma_start3A_66 = tpu.memref_slice %arg4[%dma_start3A_65, %multiple_of3A_52] : memref<64x1000000xf32, #tpu.memory_space<hbm>> -> memref<64x128xf32, #tpu.memory_space<hbm>>
    tpu.enqueue_dma source(%dma_start3A_66 : memref<64x128xf32, #tpu.memory_space<hbm>>) target(%dma_start3A_64 : memref<64x128xf32, #tpu.memory_space<vmem>>) target_semaphore(%arg15 : memref<!tpu.dma_semaphore, #tpu.memory_space<semaphore_mem>>)
    %multiple_of3A_67 = tpu.assume_multiple %squeeze3A_51, 128 : i32
    %dma_start3A_68 = arith.constant 1 : i32
    %dma_start3A_69 = arith.constant 0 : i32
    %dma_start3A_70 = arith.constant 0 : i32
    %dma_start3A_71 = arith.constant 0 : i32
    %dma_start3A_72 = tpu.memref_slice %arg12[%dma_start3A_68, %dma_start3A_69, %dma_start3A_70, %dma_start3A_71] : memref<7x1x64x128xf32, #tpu.memory_space<vmem>> -> memref<1x1x64x128xf32, #tpu.memory_space<vmem>>
    %dma_start3A_73 = tpu.memref_squeeze %dma_start3A_72 : memref<1x1x64x128xf32, #tpu.memory_space<vmem>> -> memref<64x128xf32, #tpu.memory_space<vmem>>
    %dma_start3A_74 = arith.constant 0 : i32
    %dma_start3A_75 = tpu.memref_slice %arg5[%dma_start3A_74, %multiple_of3A_67] : memref<64x1000000xf32, #tpu.memory_space<hbm>> -> memref<64x128xf32, #tpu.memory_space<hbm>>
    %dma_start3A_76 = arith.constant 0 : i32
    %dma_start3A_77 = arith.constant 0 : i32
    %dma_start3A_78 = tpu.memref_slice %arg12[%dma_start3A_68, %dma_start3A_69, %dma_start3A_76, %dma_start3A_77] : memref<7x1x64x128xf32, #tpu.memory_space<vmem>> -> memref<1x1x64x128xf32, #tpu.memory_space<vmem>>
    %dma_start3A_79 = tpu.memref_squeeze %dma_start3A_78 : memref<1x1x64x128xf32, #tpu.memory_space<vmem>> -> memref<64x128xf32, #tpu.memory_space<vmem>>
    %dma_start3A_80 = arith.constant 0 : i32
    %dma_start3A_81 = tpu.memref_slice %arg5[%dma_start3A_80, %multiple_of3A_67] : memref<64x1000000xf32, #tpu.memory_space<hbm>> -> memref<64x128xf32, #tpu.memory_space<hbm>>
    tpu.enqueue_dma source(%dma_start3A_81 : memref<64x128xf32, #tpu.memory_space<hbm>>) target(%dma_start3A_79 : memref<64x128xf32, #tpu.memory_space<vmem>>) target_semaphore(%arg15 : memref<!tpu.dma_semaphore, #tpu.memory_space<semaphore_mem>>)
    %broadcast_in_dim3A_82 = arith.constant 2 : i32
    %broadcast_in_dim3A_83 = vector.broadcast %broadcast_in_dim3A_82 : i32 to vector<16xi32>
    %gather3A_84 = tpu.vector_load_idx %arg7[%broadcast_in_dim3A_83] : memref<512xi32, #tpu.memory_space<vmem>>[vector<16xi32>], vector<16xi32>,
    %slice3A_85 = vector.extract_strided_slice %gather3A_84 {offsets = [0], sizes = [1], strides = [1]} : vector<16xi32> to vector<1xi32>
    %squeeze3A_86 = vector.extract %slice3A_85[0] : i32 from vector<1xi32>
    %broadcast_in_dim3A_87 = arith.constant 2 : i32
    %broadcast_in_dim3A_88 = vector.broadcast %broadcast_in_dim3A_87 : i32 to vector<16xi32>
    %gather3A_89 = tpu.vector_load_idx %arg8[%broadcast_in_dim3A_88] : memref<512xi32, #tpu.memory_space<vmem>>[vector<16xi32>], vector<16xi32>,
    %slice3A_90 = vector.extract_strided_slice %gather3A_89 {offsets = [0], sizes = [1], strides = [1]} : vector<16xi32> to vector<1xi32>
    %squeeze3A_91 = vector.extract %slice3A_90[0] : i32 from vector<1xi32>
    %multiple_of3A_92 = tpu.assume_multiple %squeeze3A_86, 128 : i32
    %dma_start3A_93 = arith.constant 2 : i32
    %dma_start3A_94 = arith.constant 0 : i32
    %dma_start3A_95 = arith.constant 0 : i32
    %dma_start3A_96 = arith.constant 0 : i32
    %dma_start3A_97 = tpu.memref_slice %arg11[%dma_start3A_93, %dma_start3A_94, %dma_start3A_95, %dma_start3A_96] : memref<7x1x64x128xf32, #tpu.memory_space<vmem>> -> memref<1x1x64x128xf32, #tpu.memory_space<vmem>>
    %dma_start3A_98 = tpu.memref_squeeze %dma_start3A_97 : memref<1x1x64x128xf32, #tpu.memory_space<vmem>> -> memref<64x128xf32, #tpu.memory_space<vmem>>
    %dma_start3A_99 = arith.constant 0 : i32
    %dma_start3A_100 = tpu.memref_slice %arg4[%dma_start3A_99, %multiple_of3A_92] : memref<64x1000000xf32, #tpu.memory_space<hbm>> -> memref<64x128xf32, #tpu.memory_space<hbm>>
    %dma_start3A_101 = arith.constant 0 : i32
    %dma_start3A_102 = arith.constant 0 : i32
    %dma_start3A_103 = tpu.memref_slice %arg11[%dma_start3A_93, %dma_start3A_94, %dma_start3A_101, %dma_start3A_102] : memref<7x1x64x128xf32, #tpu.memory_space<vmem>> -> memref<1x1x64x128xf32, #tpu.memory_space<vmem>>
    %dma_start3A_104 = tpu.memref_squeeze %dma_start3A_103 : memref<1x1x64x128xf32, #tpu.memory_space<vmem>> -> memref<64x128xf32, #tpu.memory_space<vmem>>
    %dma_start3A_105 = arith.constant 0 : i32
    %dma_start3A_106 = tpu.memref_slice %arg4[%dma_start3A_105, %multiple_of3A_92] : memref<64x1000000xf32, #tpu.memory_space<hbm>> -> memref<64x128xf32, #tpu.memory_space<hbm>>
    tpu.enqueue_dma source(%dma_start3A_106 : memref<64x128xf32, #tpu.memory_space<hbm>>) target(%dma_start3A_104 : memref<64x128xf32, #tpu.memory_space<vmem>>) target_semaphore(%arg16 : memref<!tpu.dma_semaphore, #tpu.memory_space<semaphore_mem>>)
    %multiple_of3A_107 = tpu.assume_multiple %squeeze3A_91, 128 : i32
    %dma_start3A_108 = arith.constant 2 : i32
    %dma_start3A_109 = arith.constant 0 : i32
    %dma_start3A_110 = arith.constant 0 : i32
    %dma_start3A_111 = arith.constant 0 : i32
    %dma_start3A_112 = tpu.memref_slice %arg12[%dma_start3A_108, %dma_start3A_109, %dma_start3A_110, %dma_start3A_111] : memref<7x1x64x128xf32, #tpu.memory_space<vmem>> -> memref<1x1x64x128xf32, #tpu.memory_space<vmem>>
    %dma_start3A_113 = tpu.memref_squeeze %dma_start3A_112 : memref<1x1x64x128xf32, #tpu.memory_space<vmem>> -> memref<64x128xf32, #tpu.memory_space<vmem>>
    %dma_start3A_114 = arith.constant 0 : i32
    %dma_start3A_115 = tpu.memref_slice %arg5[%dma_start3A_114, %multiple_of3A_107] : memref<64x1000000xf32, #tpu.memory_space<hbm>> -> memref<64x128xf32, #tpu.memory_space<hbm>>
    %dma_start3A_116 = arith.constant 0 : i32
    %dma_start3A_117 = arith.constant 0 : i32
    %dma_start3A_118 = tpu.memref_slice %arg12[%dma_start3A_108, %dma_start3A_109, %dma_start3A_116, %dma_start3A_117] : memref<7x1x64x128xf32, #tpu.memory_space<vmem>> -> memref<1x1x64x128xf32, #tpu.memory_space<vmem>>
    %dma_start3A_119 = tpu.memref_squeeze %dma_start3A_118 : memref<1x1x64x128xf32, #tpu.memory_space<vmem>> -> memref<64x128xf32, #tpu.memory_space<vmem>>
    %dma_start3A_120 = arith.constant 0 : i32
    %dma_start3A_121 = tpu.memref_slice %arg5[%dma_start3A_120, %multiple_of3A_107] : memref<64x1000000xf32, #tpu.memory_space<hbm>> -> memref<64x128xf32, #tpu.memory_space<hbm>>
    tpu.enqueue_dma source(%dma_start3A_121 : memref<64x128xf32, #tpu.memory_space<hbm>>) target(%dma_start3A_119 : memref<64x128xf32, #tpu.memory_space<vmem>>) target_semaphore(%arg16 : memref<!tpu.dma_semaphore, #tpu.memory_space<semaphore_mem>>)
    %broadcast_in_dim3A_122 = arith.constant 3 : i32
    %broadcast_in_dim3A_123 = vector.broadcast %broadcast_in_dim3A_122 : i32 to vector<16xi32>
    %gather3A_124 = tpu.vector_load_idx %arg7[%broadcast_in_dim3A_123] : memref<512xi32, #tpu.memory_space<vmem>>[vector<16xi32>], vector<16xi32>,
    %slice3A_125 = vector.extract_strided_slice %gather3A_124 {offsets = [0], sizes = [1], strides = [1]} : vector<16xi32> to vector<1xi32>
    %squeeze3A_126 = vector.extract %slice3A_125[0] : i32 from vector<1xi32>
    %broadcast_in_dim3A_127 = arith.constant 3 : i32
    %broadcast_in_dim3A_128 = vector.broadcast %broadcast_in_dim3A_127 : i32 to vector<16xi32>
    %gather3A_129 = tpu.vector_load_idx %arg8[%broadcast_in_dim3A_128] : memref<512xi32, #tpu.memory_space<vmem>>[vector<16xi32>], vector<16xi32>,
    %slice3A_130 = vector.extract_strided_slice %gather3A_129 {offsets = [0], sizes = [1], strides = [1]} : vector<16xi32> to vector<1xi32>
    %squeeze3A_131 = vector.extract %slice3A_130[0] : i32 from vector<1xi32>
    %multiple_of3A_132 = tpu.assume_multiple %squeeze3A_126, 128 : i32
    %dma_start3A_133 = arith.constant 3 : i32
    %dma_start3A_134 = arith.constant 0 : i32
    %dma_start3A_135 = arith.constant 0 : i32
    %dma_start3A_136 = arith.constant 0 : i32
    %dma_start3A_137 = tpu.memref_slice %arg11[%dma_start3A_133, %dma_start3A_134, %dma_start3A_135, %dma_start3A_136] : memref<7x1x64x128xf32, #tpu.memory_space<vmem>> -> memref<1x1x64x128xf32, #tpu.memory_space<vmem>>
    %dma_start3A_138 = tpu.memref_squeeze %dma_start3A_137 : memref<1x1x64x128xf32, #tpu.memory_space<vmem>> -> memref<64x128xf32, #tpu.memory_space<vmem>>
    %dma_start3A_139 = arith.constant 0 : i32
    %dma_start3A_140 = tpu.memref_slice %arg4[%dma_start3A_139, %multiple_of3A_132] : memref<64x1000000xf32, #tpu.memory_space<hbm>> -> memref<64x128xf32, #tpu.memory_space<hbm>>
    %dma_start3A_141 = arith.constant 0 : i32
    %dma_start3A_142 = arith.constant 0 : i32
    %dma_start3A_143 = tpu.memref_slice %arg11[%dma_start3A_133, %dma_start3A_134, %dma_start3A_141, %dma_start3A_142] : memref<7x1x64x128xf32, #tpu.memory_space<vmem>> -> memref<1x1x64x128xf32, #tpu.memory_space<vmem>>
    %dma_start3A_144 = tpu.memref_squeeze %dma_start3A_143 : memref<1x1x64x128xf32, #tpu.memory_space<vmem>> -> memref<64x128xf32, #tpu.memory_space<vmem>>
    %dma_start3A_145 = arith.constant 0 : i32
    %dma_start3A_146 = tpu.memref_slice %arg4[%dma_start3A_145, %multiple_of3A_132] : memref<64x1000000xf32, #tpu.memory_space<hbm>> -> memref<64x128xf32, #tpu.memory_space<hbm>>
    tpu.enqueue_dma source(%dma_start3A_146 : memref<64x128xf32, #tpu.memory_space<hbm>>) target(%dma_start3A_144 : memref<64x128xf32, #tpu.memory_space<vmem>>) target_semaphore(%arg17 : memref<!tpu.dma_semaphore, #tpu.memory_space<semaphore_mem>>)
    %multiple_of3A_147 = tpu.assume_multiple %squeeze3A_131, 128 : i32
    %dma_start3A_148 = arith.constant 3 : i32
    %dma_start3A_149 = arith.constant 0 : i32
    %dma_start3A_150 = arith.constant 0 : i32
    %dma_start3A_151 = arith.constant 0 : i32
    %dma_start3A_152 = tpu.memref_slice %arg12[%dma_start3A_148, %dma_start3A_149, %dma_start3A_150, %dma_start3A_151] : memref<7x1x64x128xf32, #tpu.memory_space<vmem>> -> memref<1x1x64x128xf32, #tpu.memory_space<vmem>>
    %dma_start3A_153 = tpu.memref_squeeze %dma_start3A_152 : memref<1x1x64x128xf32, #tpu.memory_space<vmem>> -> memref<64x128xf32, #tpu.memory_space<vmem>>
    %dma_start3A_154 = arith.constant 0 : i32
    %dma_start3A_155 = tpu.memref_slice %arg5[%dma_start3A_154, %multiple_of3A_147] : memref<64x1000000xf32, #tpu.memory_space<hbm>> -> memref<64x128xf32, #tpu.memory_space<hbm>>
    %dma_start3A_156 = arith.constant 0 : i32
    %dma_start3A_157 = arith.constant 0 : i32
    %dma_start3A_158 = tpu.memref_slice %arg12[%dma_start3A_148, %dma_start3A_149, %dma_start3A_156, %dma_start3A_157] : memref<7x1x64x128xf32, #tpu.memory_space<vmem>> -> memref<1x1x64x128xf32, #tpu.memory_space<vmem>>
    %dma_start3A_159 = tpu.memref_squeeze %dma_start3A_158 : memref<1x1x64x128xf32, #tpu.memory_space<vmem>> -> memref<64x128xf32, #tpu.memory_space<vmem>>
    %dma_start3A_160 = arith.constant 0 : i32
    %dma_start3A_161 = tpu.memref_slice %arg5[%dma_start3A_160, %multiple_of3A_147] : memref<64x1000000xf32, #tpu.memory_space<hbm>> -> memref<64x128xf32, #tpu.memory_space<hbm>>
    tpu.enqueue_dma source(%dma_start3A_161 : memref<64x128xf32, #tpu.memory_space<hbm>>) target(%dma_start3A_159 : memref<64x128xf32, #tpu.memory_space<vmem>>) target_semaphore(%arg17 : memref<!tpu.dma_semaphore, #tpu.memory_space<semaphore_mem>>)
    %broadcast_in_dim3A_162 = arith.constant 4 : i32
    %broadcast_in_dim3A_163 = vector.broadcast %broadcast_in_dim3A_162 : i32 to vector<16xi32>
    %gather3A_164 = tpu.vector_load_idx %arg7[%broadcast_in_dim3A_163] : memref<512xi32, #tpu.memory_space<vmem>>[vector<16xi32>], vector<16xi32>,
    %slice3A_165 = vector.extract_strided_slice %gather3A_164 {offsets = [0], sizes = [1], strides = [1]} : vector<16xi32> to vector<1xi32>
    %squeeze3A_166 = vector.extract %slice3A_165[0] : i32 from vector<1xi32>
    %broadcast_in_dim3A_167 = arith.constant 4 : i32
    %broadcast_in_dim3A_168 = vector.broadcast %broadcast_in_dim3A_167 : i32 to vector<16xi32>
    %gather3A_169 = tpu.vector_load_idx %arg8[%broadcast_in_dim3A_168] : memref<512xi32, #tpu.memory_space<vmem>>[vector<16xi32>], vector<16xi32>,
    %slice3A_170 = vector.extract_strided_slice %gather3A_169 {offsets = [0], sizes = [1], strides = [1]} : vector<16xi32> to vector<1xi32>
    %squeeze3A_171 = vector.extract %slice3A_170[0] : i32 from vector<1xi32>
    %multiple_of3A_172 = tpu.assume_multiple %squeeze3A_166, 128 : i32
    %dma_start3A_173 = arith.constant 4 : i32
    %dma_start3A_174 = arith.constant 0 : i32
    %dma_start3A_175 = arith.constant 0 : i32
    %dma_start3A_176 = arith.constant 0 : i32
    %dma_start3A_177 = tpu.memref_slice %arg11[%dma_start3A_173, %dma_start3A_174, %dma_start3A_175, %dma_start3A_176] : memref<7x1x64x128xf32, #tpu.memory_space<vmem>> -> memref<1x1x64x128xf32, #tpu.memory_space<vmem>>
    %dma_start3A_178 = tpu.memref_squeeze %dma_start3A_177 : memref<1x1x64x128xf32, #tpu.memory_space<vmem>> -> memref<64x128xf32, #tpu.memory_space<vmem>>
    %dma_start3A_179 = arith.constant 0 : i32
    %dma_start3A_180 = tpu.memref_slice %arg4[%dma_start3A_179, %multiple_of3A_172] : memref<64x1000000xf32, #tpu.memory_space<hbm>> -> memref<64x128xf32, #tpu.memory_space<hbm>>
    %dma_start3A_181 = arith.constant 0 : i32
    %dma_start3A_182 = arith.constant 0 : i32
    %dma_start3A_183 = tpu.memref_slice %arg11[%dma_start3A_173, %dma_start3A_174, %dma_start3A_181, %dma_start3A_182] : memref<7x1x64x128xf32, #tpu.memory_space<vmem>> -> memref<1x1x64x128xf32, #tpu.memory_space<vmem>>
    %dma_start3A_184 = tpu.memref_squeeze %dma_start3A_183 : memref<1x1x64x128xf32, #tpu.memory_space<vmem>> -> memref<64x128xf32, #tpu.memory_space<vmem>>
    %dma_start3A_185 = arith.constant 0 : i32
    %dma_start3A_186 = tpu.memref_slice %arg4[%dma_start3A_185, %multiple_of3A_172] : memref<64x1000000xf32, #tpu.memory_space<hbm>> -> memref<64x128xf32, #tpu.memory_space<hbm>>
    tpu.enqueue_dma source(%dma_start3A_186 : memref<64x128xf32, #tpu.memory_space<hbm>>) target(%dma_start3A_184 : memref<64x128xf32, #tpu.memory_space<vmem>>) target_semaphore(%arg18 : memref<!tpu.dma_semaphore, #tpu.memory_space<semaphore_mem>>)
    %multiple_of3A_187 = tpu.assume_multiple %squeeze3A_171, 128 : i32
    %dma_start3A_188 = arith.constant 4 : i32
    %dma_start3A_189 = arith.constant 0 : i32
    %dma_start3A_190 = arith.constant 0 : i32
    %dma_start3A_191 = arith.constant 0 : i32
    %dma_start3A_192 = tpu.memref_slice %arg12[%dma_start3A_188, %dma_start3A_189, %dma_start3A_190, %dma_start3A_191] : memref<7x1x64x128xf32, #tpu.memory_space<vmem>> -> memref<1x1x64x128xf32, #tpu.memory_space<vmem>>
    %dma_start3A_193 = tpu.memref_squeeze %dma_start3A_192 : memref<1x1x64x128xf32, #tpu.memory_space<vmem>> -> memref<64x128xf32, #tpu.memory_space<vmem>>
    %dma_start3A_194 = arith.constant 0 : i32
    %dma_start3A_195 = tpu.memref_slice %arg5[%dma_start3A_194, %multiple_of3A_187] : memref<64x1000000xf32, #tpu.memory_space<hbm>> -> memref<64x128xf32, #tpu.memory_space<hbm>>
    %dma_start3A_196 = arith.constant 0 : i32
    %dma_start3A_197 = arith.constant 0 : i32
    %dma_start3A_198 = tpu.memref_slice %arg12[%dma_start3A_188, %dma_start3A_189, %dma_start3A_196, %dma_start3A_197] : memref<7x1x64x128xf32, #tpu.memory_space<vmem>> -> memref<1x1x64x128xf32, #tpu.memory_space<vmem>>
    %dma_start3A_199 = tpu.memref_squeeze %dma_start3A_198 : memref<1x1x64x128xf32, #tpu.memory_space<vmem>> -> memref<64x128xf32, #tpu.memory_space<vmem>>
    %dma_start3A_200 = arith.constant 0 : i32
    %dma_start3A_201 = tpu.memref_slice %arg5[%dma_start3A_200, %multiple_of3A_187] : memref<64x1000000xf32, #tpu.memory_space<hbm>> -> memref<64x128xf32, #tpu.memory_space<hbm>>
    tpu.enqueue_dma source(%dma_start3A_201 : memref<64x128xf32, #tpu.memory_space<hbm>>) target(%dma_start3A_199 : memref<64x128xf32, #tpu.memory_space<vmem>>) target_semaphore(%arg18 : memref<!tpu.dma_semaphore, #tpu.memory_space<semaphore_mem>>)
    %scan3A_202 = arith.constant 0 : i32
    %scan3A_203 = arith.constant 0 : i32
    %scan3A_204 = arith.constant 74 : i32
    %scan3A_205 = arith.addi %scan3A_203, %scan3A_204 : i32
    %scan3A_206 = arith.constant 1 : i32
    scf.for %scan3A_208 = %scan3A_203 to %scan3A_205 step %scan3A_206  : i32 {
      %mul3A_209 = arith.constant 7 : i32
      %mul3A_210 = arith.muli %scan3A_208, %mul3A_209 : i32
      %add3A_211 = arith.constant 0 : i32
      %add3A_212 = arith.addi %mul3A_210, %add3A_211 : i32
      %add3A_213 = arith.constant 5 : i32
      %add3A_214 = arith.addi %add3A_212, %add3A_213 : i32
      %lt3A = arith.constant 512 : i32
      %lt3A_215 = arith.cmpi slt, %add3A_214, %lt3A : i32
      %convert_element_type3A = arith.extui %lt3A_215 : i1 to i32
      %cond3A = arith.constant 0 : i32
      %cond3A_216 = arith.cmpi ne, %convert_element_type3A, %cond3A : i32
      scf.if %cond3A_216 {
        %add3A_306 = arith.constant 5 : i32
        %add3A_307 = arith.addi %add3A_212, %add3A_306 : i32
        %mul3A_308 = arith.constant 1 : i32
        %mul3A_309 = arith.muli %add3A_307, %mul3A_308 : i32
        %add3A_310 = arith.constant 0 : i32
        %add3A_311 = arith.addi %mul3A_309, %add3A_310 : i32
        %broadcast_in_dim3A_312 = vector.broadcast %add3A_311 : i32 to vector<16xi32>
        %gather3A_313 = tpu.vector_load_idx %arg7[%broadcast_in_dim3A_312] : memref<512xi32, #tpu.memory_space<vmem>>[vector<16xi32>], vector<16xi32>,
        %slice3A_314 = vector.extract_strided_slice %gather3A_313 {offsets = [0], sizes = [1], strides = [1]} : vector<16xi32> to vector<1xi32>
        %squeeze3A_315 = vector.extract %slice3A_314[0] : i32 from vector<1xi32>
        %broadcast_in_dim3A_316 = vector.broadcast %add3A_311 : i32 to vector<16xi32>
        %gather3A_317 = tpu.vector_load_idx %arg8[%broadcast_in_dim3A_316] : memref<512xi32, #tpu.memory_space<vmem>>[vector<16xi32>], vector<16xi32>,
        %slice3A_318 = vector.extract_strided_slice %gather3A_317 {offsets = [0], sizes = [1], strides = [1]} : vector<16xi32> to vector<1xi32>
        %squeeze3A_319 = vector.extract %slice3A_318[0] : i32 from vector<1xi32>
        %multiple_of3A_320 = tpu.assume_multiple %squeeze3A_315, 128 : i32
        %dma_start3A_321 = arith.constant 5 : i32
        %dma_start3A_322 = arith.constant 0 : i32
        %dma_start3A_323 = arith.constant 0 : i32
        %dma_start3A_324 = arith.constant 0 : i32
        %dma_start3A_325 = tpu.memref_slice %arg11[%dma_start3A_321, %dma_start3A_322, %dma_start3A_323, %dma_start3A_324] : memref<7x1x64x128xf32, #tpu.memory_space<vmem>> -> memref<1x1x64x128xf32, #tpu.memory_space<vmem>>
        %dma_start3A_326 = tpu.memref_squeeze %dma_start3A_325 : memref<1x1x64x128xf32, #tpu.memory_space<vmem>> -> memref<64x128xf32, #tpu.memory_space<vmem>>
        %dma_start3A_327 = arith.constant 0 : i32
        %dma_start3A_328 = tpu.memref_slice %arg4[%dma_start3A_327, %multiple_of3A_320] : memref<64x1000000xf32, #tpu.memory_space<hbm>> -> memref<64x128xf32, #tpu.memory_space<hbm>>
        %dma_start3A_329 = arith.constant 0 : i32
        %dma_start3A_330 = arith.constant 0 : i32
        %dma_start3A_331 = tpu.memref_slice %arg11[%dma_start3A_321, %dma_start3A_322, %dma_start3A_329, %dma_start3A_330] : memref<7x1x64x128xf32, #tpu.memory_space<vmem>> -> memref<1x1x64x128xf32, #tpu.memory_space<vmem>>
        %dma_start3A_332 = tpu.memref_squeeze %dma_start3A_331 : memref<1x1x64x128xf32, #tpu.memory_space<vmem>> -> memref<64x128xf32, #tpu.memory_space<vmem>>
        %dma_start3A_333 = arith.constant 0 : i32
        %dma_start3A_334 = tpu.memref_slice %arg4[%dma_start3A_333, %multiple_of3A_320] : memref<64x1000000xf32, #tpu.memory_space<hbm>> -> memref<64x128xf32, #tpu.memory_space<hbm>>
        tpu.enqueue_dma source(%dma_start3A_334 : memref<64x128xf32, #tpu.memory_space<hbm>>) target(%dma_start3A_332 : memref<64x128xf32, #tpu.memory_space<vmem>>) target_semaphore(%arg19 : memref<!tpu.dma_semaphore, #tpu.memory_space<semaphore_mem>>)
        %multiple_of3A_335 = tpu.assume_multiple %squeeze3A_319, 128 : i32
        %dma_start3A_336 = arith.constant 5 : i32
        %dma_start3A_337 = arith.constant 0 : i32
        %dma_start3A_338 = arith.constant 0 : i32
        %dma_start3A_339 = arith.constant 0 : i32
        %dma_start3A_340 = tpu.memref_slice %arg12[%dma_start3A_336, %dma_start3A_337, %dma_start3A_338, %dma_start3A_339] : memref<7x1x64x128xf32, #tpu.memory_space<vmem>> -> memref<1x1x64x128xf32, #tpu.memory_space<vmem>>
        %dma_start3A_341 = tpu.memref_squeeze %dma_start3A_340 : memref<1x1x64x128xf32, #tpu.memory_space<vmem>> -> memref<64x128xf32, #tpu.memory_space<vmem>>
        %dma_start3A_342 = arith.constant 0 : i32
        %dma_start3A_343 = tpu.memref_slice %arg5[%dma_start3A_342, %multiple_of3A_335] : memref<64x1000000xf32, #tpu.memory_space<hbm>> -> memref<64x128xf32, #tpu.memory_space<hbm>>
        %dma_start3A_344 = arith.constant 0 : i32
        %dma_start3A_345 = arith.constant 0 : i32
        %dma_start3A_346 = tpu.memref_slice %arg12[%dma_start3A_336, %dma_start3A_337, %dma_start3A_344, %dma_start3A_345] : memref<7x1x64x128xf32, #tpu.memory_space<vmem>> -> memref<1x1x64x128xf32, #tpu.memory_space<vmem>>
        %dma_start3A_347 = tpu.memref_squeeze %dma_start3A_346 : memref<1x1x64x128xf32, #tpu.memory_space<vmem>> -> memref<64x128xf32, #tpu.memory_space<vmem>>
        %dma_start3A_348 = arith.constant 0 : i32
        %dma_start3A_349 = tpu.memref_slice %arg5[%dma_start3A_348, %multiple_of3A_335] : memref<64x1000000xf32, #tpu.memory_space<hbm>> -> memref<64x128xf32, #tpu.memory_space<hbm>>
        tpu.enqueue_dma source(%dma_start3A_349 : memref<64x128xf32, #tpu.memory_space<hbm>>) target(%dma_start3A_347 : memref<64x128xf32, #tpu.memory_space<vmem>>) target_semaphore(%arg19 : memref<!tpu.dma_semaphore, #tpu.memory_space<semaphore_mem>>)
      } else {
      }
      %lt3A_217 = arith.constant 512 : i32
      %lt3A_218 = arith.cmpi slt, %add3A_212, %lt3A_217 : i32
      %convert_element_type3A_219 = arith.extui %lt3A_218 : i1 to i32
      %cond3A_220 = arith.constant 0 : i32
      %cond3A_221 = arith.cmpi ne, %convert_element_type3A_219, %cond3A_220 : i32
      scf.if %cond3A_221 {
        %dma_wait3A = arith.constant 0 : i32
        %dma_wait3A_306 = arith.constant 0 : i32
        %dma_wait3A_307 = arith.constant 0 : i32
        %dma_wait3A_308 = arith.constant 0 : i32
        %dma_wait3A_309 = tpu.memref_slice %arg11[%dma_wait3A, %dma_wait3A_306, %dma_wait3A_307, %dma_wait3A_308] : memref<7x1x64x128xf32, #tpu.memory_space<vmem>> -> memref<1x1x64x128xf32, #tpu.memory_space<vmem>>
        %dma_wait3A_310 = tpu.memref_squeeze %dma_wait3A_309 : memref<1x1x64x128xf32, #tpu.memory_space<vmem>> -> memref<64x128xf32, #tpu.memory_space<vmem>>
        %dma_wait3A_311 = arith.constant 0 : i32
        %dma_wait3A_312 = arith.constant 0 : i32
        %dma_wait3A_313 = tpu.memref_slice %arg4[%dma_wait3A_311, %dma_wait3A_312] : memref<64x1000000xf32, #tpu.memory_space<hbm>> -> memref<64x128xf32, #tpu.memory_space<hbm>>
        %dma_wait3A_314 = arith.constant 0 : i32
        %dma_wait3A_315 = arith.constant 0 : i32
        %dma_wait3A_316 = tpu.memref_slice %arg11[%dma_wait3A, %dma_wait3A_306, %dma_wait3A_314, %dma_wait3A_315] : memref<7x1x64x128xf32, #tpu.memory_space<vmem>> -> memref<1x1x64x128xf32, #tpu.memory_space<vmem>>
        %dma_wait3A_317 = tpu.memref_squeeze %dma_wait3A_316 : memref<1x1x64x128xf32, #tpu.memory_space<vmem>> -> memref<64x128xf32, #tpu.memory_space<vmem>>
        %dma_wait3A_318 = arith.constant 0 : i32
        %dma_wait3A_319 = arith.constant 0 : i32
        %dma_wait3A_320 = tpu.memref_slice %arg4[%dma_wait3A_318, %dma_wait3A_319] : memref<64x1000000xf32, #tpu.memory_space<hbm>> -> memref<64x128xf32, #tpu.memory_space<hbm>>
        tpu.wait_dma2 semaphore(%arg14 : memref<!tpu.dma_semaphore, #tpu.memory_space<semaphore_mem>>) src(%dma_wait3A_320 : memref<64x128xf32, #tpu.memory_space<hbm>>) dst(%dma_wait3A_317 : memref<64x128xf32, #tpu.memory_space<vmem>>)
        %dma_wait3A_321 = arith.constant 0 : i32
        %dma_wait3A_322 = arith.constant 0 : i32
        %dma_wait3A_323 = arith.constant 0 : i32
        %dma_wait3A_324 = arith.constant 0 : i32
        %dma_wait3A_325 = tpu.memref_slice %arg12[%dma_wait3A_321, %dma_wait3A_322, %dma_wait3A_323, %dma_wait3A_324] : memref<7x1x64x128xf32, #tpu.memory_space<vmem>> -> memref<1x1x64x128xf32, #tpu.memory_space<vmem>>
        %dma_wait3A_326 = tpu.memref_squeeze %dma_wait3A_325 : memref<1x1x64x128xf32, #tpu.memory_space<vmem>> -> memref<64x128xf32, #tpu.memory_space<vmem>>
        %dma_wait3A_327 = arith.constant 0 : i32
        %dma_wait3A_328 = arith.constant 0 : i32
        %dma_wait3A_329 = tpu.memref_slice %arg5[%dma_wait3A_327, %dma_wait3A_328] : memref<64x1000000xf32, #tpu.memory_space<hbm>> -> memref<64x128xf32, #tpu.memory_space<hbm>>
        %dma_wait3A_330 = arith.constant 0 : i32
        %dma_wait3A_331 = arith.constant 0 : i32
        %dma_wait3A_332 = tpu.memref_slice %arg12[%dma_wait3A_321, %dma_wait3A_322, %dma_wait3A_330, %dma_wait3A_331] : memref<7x1x64x128xf32, #tpu.memory_space<vmem>> -> memref<1x1x64x128xf32, #tpu.memory_space<vmem>>
        %dma_wait3A_333 = tpu.memref_squeeze %dma_wait3A_332 : memref<1x1x64x128xf32, #tpu.memory_space<vmem>> -> memref<64x128xf32, #tpu.memory_space<vmem>>
        %dma_wait3A_334 = arith.constant 0 : i32
        %dma_wait3A_335 = arith.constant 0 : i32
        %dma_wait3A_336 = tpu.memref_slice %arg5[%dma_wait3A_334, %dma_wait3A_335] : memref<64x1000000xf32, #tpu.memory_space<hbm>> -> memref<64x128xf32, #tpu.memory_space<hbm>>
        tpu.wait_dma2 semaphore(%arg14 : memref<!tpu.dma_semaphore, #tpu.memory_space<semaphore_mem>>) src(%dma_wait3A_336 : memref<64x128xf32, #tpu.memory_space<hbm>>) dst(%dma_wait3A_333 : memref<64x128xf32, #tpu.memory_space<vmem>>)
        %iota3A = tpu.iota {dimensions = array<i32: 0>} : vector<16xi32>
        %eq3A = arith.constant 0 : i32
        %eq3A_337 = vector.broadcast %eq3A : i32 to vector<16xi32>
        %eq3A_338 = arith.cmpi eq, %iota3A, %eq3A_337 : vector<16xi32>
        %mul3A_339 = arith.constant 1 : i32
        %mul3A_340 = arith.muli %add3A_212, %mul3A_339 : i32
        %add3A_341 = arith.constant 0 : i32
        %add3A_342 = arith.addi %mul3A_340, %add3A_341 : i32
        %broadcast_in_dim3A_343 = vector.broadcast %add3A_342 : i32 to vector<16xi32>
        %gather3A_344 = tpu.vector_load_idx %arg9[%broadcast_in_dim3A_343] : memref<512xi32, #tpu.memory_space<vmem>>[vector<16xi32>], vector<16xi32>,
        %broadcast_in_dim3A_345 = vector.broadcast %add3A_342 : i32 to vector<16xi32>
        %gather3A_346 = tpu.vector_load_idx %arg10[%broadcast_in_dim3A_345] : memref<512xi32, #tpu.memory_space<vmem>>[vector<16xi32>], vector<16xi32>,
        %iota3A_347 = tpu.iota {dimensions = array<i32: 0>} : vector<16xi32>
        %add3A_348 = arith.constant 0 : i32
        %add3A_349 = vector.broadcast %add3A_348 : i32 to vector<16xi32>
        %add3A_350 = arith.addi %add3A_349, %iota3A_347 : vector<16xi32>
        %gather3A_351 = arith.constant 0 : i32
        %gather3A_352 = arith.constant 0 : i32
        %gather3A_353 = arith.constant 0 : i32
        %gather3A_354 = arith.constant 0 : i32
        %gather3A_355 = tpu.memref_slice %arg11[%gather3A_351, %gather3A_352, %gather3A_353, %gather3A_354] : memref<7x1x64x128xf32, #tpu.memory_space<vmem>> -> memref<1x1x64x128xf32, #tpu.memory_space<vmem>>
        %gather3A_356 = tpu.memref_squeeze %gather3A_355 : memref<1x1x64x128xf32, #tpu.memory_space<vmem>> -> memref<64x128xf32, #tpu.memory_space<vmem>>
        %gather3A_357 = tpu.vector_load_idx %gather3A_356[%add3A_350, %gather3A_344] : memref<64x128xf32, #tpu.memory_space<vmem>>[vector<16xi32>, vector<16xi32>], vector<16xf32>,
        %gather3A_358 = arith.constant 0 : i32
        %gather3A_359 = arith.constant 0 : i32
        %gather3A_360 = arith.constant 0 : i32
        %gather3A_361 = arith.constant 0 : i32
        %gather3A_362 = tpu.memref_slice %arg12[%gather3A_358, %gather3A_359, %gather3A_360, %gather3A_361] : memref<7x1x64x128xf32, #tpu.memory_space<vmem>> -> memref<1x1x64x128xf32, #tpu.memory_space<vmem>>
        %gather3A_363 = tpu.memref_squeeze %gather3A_362 : memref<1x1x64x128xf32, #tpu.memory_space<vmem>> -> memref<64x128xf32, #tpu.memory_space<vmem>>
        %gather3A_364 = tpu.vector_load_idx %gather3A_363[%add3A_350, %gather3A_346] : memref<64x128xf32, #tpu.memory_space<vmem>>[vector<16xi32>, vector<16xi32>], vector<16xf32>,
        %mul3A_365 = arith.mulf %gather3A_357, %gather3A_364 : vector<16xf32>
        %iota3A_366 = tpu.iota {dimensions = array<i32: 0>} : vector<16xi32>
        %add3A_367 = arith.constant 16 : i32
        %add3A_368 = vector.broadcast %add3A_367 : i32 to vector<16xi32>
        %add3A_369 = arith.addi %add3A_368, %iota3A_366 : vector<16xi32>
        %gather3A_370 = arith.constant 0 : i32
        %gather3A_371 = arith.constant 0 : i32
        %gather3A_372 = arith.constant 0 : i32
        %gather3A_373 = arith.constant 0 : i32
        %gather3A_374 = tpu.memref_slice %arg11[%gather3A_370, %gather3A_371, %gather3A_372, %gather3A_373] : memref<7x1x64x128xf32, #tpu.memory_space<vmem>> -> memref<1x1x64x128xf32, #tpu.memory_space<vmem>>
        %gather3A_375 = tpu.memref_squeeze %gather3A_374 : memref<1x1x64x128xf32, #tpu.memory_space<vmem>> -> memref<64x128xf32, #tpu.memory_space<vmem>>
        %gather3A_376 = tpu.vector_load_idx %gather3A_375[%add3A_369, %gather3A_344] : memref<64x128xf32, #tpu.memory_space<vmem>>[vector<16xi32>, vector<16xi32>], vector<16xf32>,
        %gather3A_377 = arith.constant 0 : i32
        %gather3A_378 = arith.constant 0 : i32
        %gather3A_379 = arith.constant 0 : i32
        %gather3A_380 = arith.constant 0 : i32
        %gather3A_381 = tpu.memref_slice %arg12[%gather3A_377, %gather3A_378, %gather3A_379, %gather3A_380] : memref<7x1x64x128xf32, #tpu.memory_space<vmem>> -> memref<1x1x64x128xf32, #tpu.memory_space<vmem>>
        %gather3A_382 = tpu.memref_squeeze %gather3A_381 : memref<1x1x64x128xf32, #tpu.memory_space<vmem>> -> memref<64x128xf32, #tpu.memory_space<vmem>>
        %gather3A_383 = tpu.vector_load_idx %gather3A_382[%add3A_369, %gather3A_346] : memref<64x128xf32, #tpu.memory_space<vmem>>[vector<16xi32>, vector<16xi32>], vector<16xf32>,
        %mul3A_384 = arith.mulf %gather3A_376, %gather3A_383 : vector<16xf32>
        %add3A_385 = arith.addf %mul3A_365, %mul3A_384 : vector<16xf32>
        %iota3A_386 = tpu.iota {dimensions = array<i32: 0>} : vector<16xi32>
        %add3A_387 = arith.constant 32 : i32
        %add3A_388 = vector.broadcast %add3A_387 : i32 to vector<16xi32>
        %add3A_389 = arith.addi %add3A_388, %iota3A_386 : vector<16xi32>
        %gather3A_390 = arith.constant 0 : i32
        %gather3A_391 = arith.constant 0 : i32
        %gather3A_392 = arith.constant 0 : i32
        %gather3A_393 = arith.constant 0 : i32
        %gather3A_394 = tpu.memref_slice %arg11[%gather3A_390, %gather3A_391, %gather3A_392, %gather3A_393] : memref<7x1x64x128xf32, #tpu.memory_space<vmem>> -> memref<1x1x64x128xf32, #tpu.memory_space<vmem>>
        %gather3A_395 = tpu.memref_squeeze %gather3A_394 : memref<1x1x64x128xf32, #tpu.memory_space<vmem>> -> memref<64x128xf32, #tpu.memory_space<vmem>>
        %gather3A_396 = tpu.vector_load_idx %gather3A_395[%add3A_389, %gather3A_344] : memref<64x128xf32, #tpu.memory_space<vmem>>[vector<16xi32>, vector<16xi32>], vector<16xf32>,
        %gather3A_397 = arith.constant 0 : i32
        %gather3A_398 = arith.constant 0 : i32
        %gather3A_399 = arith.constant 0 : i32
        %gather3A_400 = arith.constant 0 : i32
        %gather3A_401 = tpu.memref_slice %arg12[%gather3A_397, %gather3A_398, %gather3A_399, %gather3A_400] : memref<7x1x64x128xf32, #tpu.memory_space<vmem>> -> memref<1x1x64x128xf32, #tpu.memory_space<vmem>>
        %gather3A_402 = tpu.memref_squeeze %gather3A_401 : memref<1x1x64x128xf32, #tpu.memory_space<vmem>> -> memref<64x128xf32, #tpu.memory_space<vmem>>
        %gather3A_403 = tpu.vector_load_idx %gather3A_402[%add3A_389, %gather3A_346] : memref<64x128xf32, #tpu.memory_space<vmem>>[vector<16xi32>, vector<16xi32>], vector<16xf32>,
        %mul3A_404 = arith.mulf %gather3A_396, %gather3A_403 : vector<16xf32>
        %add3A_405 = arith.addf %add3A_385, %mul3A_404 : vector<16xf32>
        %iota3A_406 = tpu.iota {dimensions = array<i32: 0>} : vector<16xi32>
        %add3A_407 = arith.constant 48 : i32
        %add3A_408 = vector.broadcast %add3A_407 : i32 to vector<16xi32>
        %add3A_409 = arith.addi %add3A_408, %iota3A_406 : vector<16xi32>
        %gather3A_410 = arith.constant 0 : i32
        %gather3A_411 = arith.constant 0 : i32
        %gather3A_412 = arith.constant 0 : i32
        %gather3A_413 = arith.constant 0 : i32
        %gather3A_414 = tpu.memref_slice %arg11[%gather3A_410, %gather3A_411, %gather3A_412, %gather3A_413] : memref<7x1x64x128xf32, #tpu.memory_space<vmem>> -> memref<1x1x64x128xf32, #tpu.memory_space<vmem>>
        %gather3A_415 = tpu.memref_squeeze %gather3A_414 : memref<1x1x64x128xf32, #tpu.memory_space<vmem>> -> memref<64x128xf32, #tpu.memory_space<vmem>>
        %gather3A_416 = tpu.vector_load_idx %gather3A_415[%add3A_409, %gather3A_344] : memref<64x128xf32, #tpu.memory_space<vmem>>[vector<16xi32>, vector<16xi32>], vector<16xf32>,
        %gather3A_417 = arith.constant 0 : i32
        %gather3A_418 = arith.constant 0 : i32
        %gather3A_419 = arith.constant 0 : i32
        %gather3A_420 = arith.constant 0 : i32
        %gather3A_421 = tpu.memref_slice %arg12[%gather3A_417, %gather3A_418, %gather3A_419, %gather3A_420] : memref<7x1x64x128xf32, #tpu.memory_space<vmem>> -> memref<1x1x64x128xf32, #tpu.memory_space<vmem>>
        %gather3A_422 = tpu.memref_squeeze %gather3A_421 : memref<1x1x64x128xf32, #tpu.memory_space<vmem>> -> memref<64x128xf32, #tpu.memory_space<vmem>>
        %gather3A_423 = tpu.vector_load_idx %gather3A_422[%add3A_409, %gather3A_346] : memref<64x128xf32, #tpu.memory_space<vmem>>[vector<16xi32>, vector<16xi32>], vector<16xf32>,
        %mul3A_424 = arith.mulf %gather3A_416, %gather3A_423 : vector<16xf32>
        %add3A_425 = arith.addf %add3A_405, %mul3A_424 : vector<16xf32>
        %reduce_sum3A = arith.constant true
        %reduce_sum3A_426 = vector.broadcast %reduce_sum3A : i1 to vector<16xi1>
        %reduce_sum3A_427 = tpu.scan <sum>, %add3A_425 masked %reduce_sum3A_426 : vector<16xf32>, vector<16xi1> -> vector<16xf32>
        %reduce_sum3A_428 = vector.extract %reduce_sum3A_427[15] : f32 from vector<16xf32>
        %broadcast_in_dim3A_429 = vector.broadcast %reduce_sum3A_428 : f32 to vector<16xf32>
        %broadcast_in_dim3A_430 = vector.broadcast %add3A_342 : i32 to vector<16xi32>
        tpu.vector_store_idx %arg13[%broadcast_in_dim3A_430], %broadcast_in_dim3A_429 masked %eq3A_338 : memref<512xf32, #tpu.memory_space<vmem>>[vector<16xi32>], vector<16xf32>, vector<16xi1>
      } else {
      }
      %add3A_222 = arith.constant 1 : i32
      %add3A_223 = arith.addi %mul3A_210, %add3A_222 : i32
      %add3A_224 = arith.constant 5 : i32
      %add3A_225 = arith.addi %add3A_223, %add3A_224 : i32
      %lt3A_226 = arith.constant 512 : i32
      %lt3A_227 = arith.cmpi slt, %add3A_225, %lt3A_226 : i32
      %convert_element_type3A_228 = arith.extui %lt3A_227 : i1 to i32
      %cond3A_229 = arith.constant 0 : i32
      %cond3A_230 = arith.cmpi ne, %convert_element_type3A_228, %cond3A_229 : i32
      scf.if %cond3A_230 {
        %add3A_306 = arith.constant 5 : i32
        %add3A_307 = arith.addi %add3A_223, %add3A_306 : i32
        %mul3A_308 = arith.constant 1 : i32
        %mul3A_309 = arith.muli %add3A_307, %mul3A_308 : i32
        %add3A_310 = arith.constant 0 : i32
        %add3A_311 = arith.addi %mul3A_309, %add3A_310 : i32
        %broadcast_in_dim3A_312 = vector.broadcast %add3A_311 : i32 to vector<16xi32>
        %gather3A_313 = tpu.vector_load_idx %arg7[%broadcast_in_dim3A_312] : memref<512xi32, #tpu.memory_space<vmem>>[vector<16xi32>], vector<16xi32>,
        %slice3A_314 = vector.extract_strided_slice %gather3A_313 {offsets = [0], sizes = [1], strides = [1]} : vector<16xi32> to vector<1xi32>
        %squeeze3A_315 = vector.extract %slice3A_314[0] : i32 from vector<1xi32>
        %broadcast_in_dim3A_316 = vector.broadcast %add3A_311 : i32 to vector<16xi32>
        %gather3A_317 = tpu.vector_load_idx %arg8[%broadcast_in_dim3A_316] : memref<512xi32, #tpu.memory_space<vmem>>[vector<16xi32>], vector<16xi32>,
        %slice3A_318 = vector.extract_strided_slice %gather3A_317 {offsets = [0], sizes = [1], strides = [1]} : vector<16xi32> to vector<1xi32>
        %squeeze3A_319 = vector.extract %slice3A_318[0] : i32 from vector<1xi32>
        %multiple_of3A_320 = tpu.assume_multiple %squeeze3A_315, 128 : i32
        %dma_start3A_321 = arith.constant 6 : i32
        %dma_start3A_322 = arith.constant 0 : i32
        %dma_start3A_323 = arith.constant 0 : i32
        %dma_start3A_324 = arith.constant 0 : i32
        %dma_start3A_325 = tpu.memref_slice %arg11[%dma_start3A_321, %dma_start3A_322, %dma_start3A_323, %dma_start3A_324] : memref<7x1x64x128xf32, #tpu.memory_space<vmem>> -> memref<1x1x64x128xf32, #tpu.memory_space<vmem>>
        %dma_start3A_326 = tpu.memref_squeeze %dma_start3A_325 : memref<1x1x64x128xf32, #tpu.memory_space<vmem>> -> memref<64x128xf32, #tpu.memory_space<vmem>>
        %dma_start3A_327 = arith.constant 0 : i32
        %dma_start3A_328 = tpu.memref_slice %arg4[%dma_start3A_327, %multiple_of3A_320] : memref<64x1000000xf32, #tpu.memory_space<hbm>> -> memref<64x128xf32, #tpu.memory_space<hbm>>
        %dma_start3A_329 = arith.constant 0 : i32
        %dma_start3A_330 = arith.constant 0 : i32
        %dma_start3A_331 = tpu.memref_slice %arg11[%dma_start3A_321, %dma_start3A_322, %dma_start3A_329, %dma_start3A_330] : memref<7x1x64x128xf32, #tpu.memory_space<vmem>> -> memref<1x1x64x128xf32, #tpu.memory_space<vmem>>
        %dma_start3A_332 = tpu.memref_squeeze %dma_start3A_331 : memref<1x1x64x128xf32, #tpu.memory_space<vmem>> -> memref<64x128xf32, #tpu.memory_space<vmem>>
        %dma_start3A_333 = arith.constant 0 : i32
        %dma_start3A_334 = tpu.memref_slice %arg4[%dma_start3A_333, %multiple_of3A_320] : memref<64x1000000xf32, #tpu.memory_space<hbm>> -> memref<64x128xf32, #tpu.memory_space<hbm>>
        tpu.enqueue_dma source(%dma_start3A_334 : memref<64x128xf32, #tpu.memory_space<hbm>>) target(%dma_start3A_332 : memref<64x128xf32, #tpu.memory_space<vmem>>) target_semaphore(%arg20 : memref<!tpu.dma_semaphore, #tpu.memory_space<semaphore_mem>>)
        %multiple_of3A_335 = tpu.assume_multiple %squeeze3A_319, 128 : i32
        %dma_start3A_336 = arith.constant 6 : i32
        %dma_start3A_337 = arith.constant 0 : i32
        %dma_start3A_338 = arith.constant 0 : i32
        %dma_start3A_339 = arith.constant 0 : i32
        %dma_start3A_340 = tpu.memref_slice %arg12[%dma_start3A_336, %dma_start3A_337, %dma_start3A_338, %dma_start3A_339] : memref<7x1x64x128xf32, #tpu.memory_space<vmem>> -> memref<1x1x64x128xf32, #tpu.memory_space<vmem>>
        %dma_start3A_341 = tpu.memref_squeeze %dma_start3A_340 : memref<1x1x64x128xf32, #tpu.memory_space<vmem>> -> memref<64x128xf32, #tpu.memory_space<vmem>>
        %dma_start3A_342 = arith.constant 0 : i32
        %dma_start3A_343 = tpu.memref_slice %arg5[%dma_start3A_342, %multiple_of3A_335] : memref<64x1000000xf32, #tpu.memory_space<hbm>> -> memref<64x128xf32, #tpu.memory_space<hbm>>
        %dma_start3A_344 = arith.constant 0 : i32
        %dma_start3A_345 = arith.constant 0 : i32
        %dma_start3A_346 = tpu.memref_slice %arg12[%dma_start3A_336, %dma_start3A_337, %dma_start3A_344, %dma_start3A_345] : memref<7x1x64x128xf32, #tpu.memory_space<vmem>> -> memref<1x1x64x128xf32, #tpu.memory_space<vmem>>
        %dma_start3A_347 = tpu.memref_squeeze %dma_start3A_346 : memref<1x1x64x128xf32, #tpu.memory_space<vmem>> -> memref<64x128xf32, #tpu.memory_space<vmem>>
        %dma_start3A_348 = arith.constant 0 : i32
        %dma_start3A_349 = tpu.memref_slice %arg5[%dma_start3A_348, %multiple_of3A_335] : memref<64x1000000xf32, #tpu.memory_space<hbm>> -> memref<64x128xf32, #tpu.memory_space<hbm>>
        tpu.enqueue_dma source(%dma_start3A_349 : memref<64x128xf32, #tpu.memory_space<hbm>>) target(%dma_start3A_347 : memref<64x128xf32, #tpu.memory_space<vmem>>) target_semaphore(%arg20 : memref<!tpu.dma_semaphore, #tpu.memory_space<semaphore_mem>>)
      } else {
      }
      %lt3A_231 = arith.constant 512 : i32
      %lt3A_232 = arith.cmpi slt, %add3A_223, %lt3A_231 : i32
      %convert_element_type3A_233 = arith.extui %lt3A_232 : i1 to i32
      %cond3A_234 = arith.constant 0 : i32
      %cond3A_235 = arith.cmpi ne, %convert_element_type3A_233, %cond3A_234 : i32
      scf.if %cond3A_235 {
        %dma_wait3A = arith.constant 1 : i32
        %dma_wait3A_306 = arith.constant 0 : i32
        %dma_wait3A_307 = arith.constant 0 : i32
        %dma_wait3A_308 = arith.constant 0 : i32
        %dma_wait3A_309 = tpu.memref_slice %arg11[%dma_wait3A, %dma_wait3A_306, %dma_wait3A_307, %dma_wait3A_308] : memref<7x1x64x128xf32, #tpu.memory_space<vmem>> -> memref<1x1x64x128xf32, #tpu.memory_space<vmem>>
        %dma_wait3A_310 = tpu.memref_squeeze %dma_wait3A_309 : memref<1x1x64x128xf32, #tpu.memory_space<vmem>> -> memref<64x128xf32, #tpu.memory_space<vmem>>
        %dma_wait3A_311 = arith.constant 0 : i32
        %dma_wait3A_312 = arith.constant 0 : i32
        %dma_wait3A_313 = tpu.memref_slice %arg4[%dma_wait3A_311, %dma_wait3A_312] : memref<64x1000000xf32, #tpu.memory_space<hbm>> -> memref<64x128xf32, #tpu.memory_space<hbm>>
        %dma_wait3A_314 = arith.constant 0 : i32
        %dma_wait3A_315 = arith.constant 0 : i32
        %dma_wait3A_316 = tpu.memref_slice %arg11[%dma_wait3A, %dma_wait3A_306, %dma_wait3A_314, %dma_wait3A_315] : memref<7x1x64x128xf32, #tpu.memory_space<vmem>> -> memref<1x1x64x128xf32, #tpu.memory_space<vmem>>
        %dma_wait3A_317 = tpu.memref_squeeze %dma_wait3A_316 : memref<1x1x64x128xf32, #tpu.memory_space<vmem>> -> memref<64x128xf32, #tpu.memory_space<vmem>>
        %dma_wait3A_318 = arith.constant 0 : i32
        %dma_wait3A_319 = arith.constant 0 : i32
        %dma_wait3A_320 = tpu.memref_slice %arg4[%dma_wait3A_318, %dma_wait3A_319] : memref<64x1000000xf32, #tpu.memory_space<hbm>> -> memref<64x128xf32, #tpu.memory_space<hbm>>
        tpu.wait_dma2 semaphore(%arg15 : memref<!tpu.dma_semaphore, #tpu.memory_space<semaphore_mem>>) src(%dma_wait3A_320 : memref<64x128xf32, #tpu.memory_space<hbm>>) dst(%dma_wait3A_317 : memref<64x128xf32, #tpu.memory_space<vmem>>)
        %dma_wait3A_321 = arith.constant 1 : i32
        %dma_wait3A_322 = arith.constant 0 : i32
        %dma_wait3A_323 = arith.constant 0 : i32
        %dma_wait3A_324 = arith.constant 0 : i32
        %dma_wait3A_325 = tpu.memref_slice %arg12[%dma_wait3A_321, %dma_wait3A_322, %dma_wait3A_323, %dma_wait3A_324] : memref<7x1x64x128xf32, #tpu.memory_space<vmem>> -> memref<1x1x64x128xf32, #tpu.memory_space<vmem>>
        %dma_wait3A_326 = tpu.memref_squeeze %dma_wait3A_325 : memref<1x1x64x128xf32, #tpu.memory_space<vmem>> -> memref<64x128xf32, #tpu.memory_space<vmem>>
        %dma_wait3A_327 = arith.constant 0 : i32
        %dma_wait3A_328 = arith.constant 0 : i32
        %dma_wait3A_329 = tpu.memref_slice %arg5[%dma_wait3A_327, %dma_wait3A_328] : memref<64x1000000xf32, #tpu.memory_space<hbm>> -> memref<64x128xf32, #tpu.memory_space<hbm>>
        %dma_wait3A_330 = arith.constant 0 : i32
        %dma_wait3A_331 = arith.constant 0 : i32
        %dma_wait3A_332 = tpu.memref_slice %arg12[%dma_wait3A_321, %dma_wait3A_322, %dma_wait3A_330, %dma_wait3A_331] : memref<7x1x64x128xf32, #tpu.memory_space<vmem>> -> memref<1x1x64x128xf32, #tpu.memory_space<vmem>>
        %dma_wait3A_333 = tpu.memref_squeeze %dma_wait3A_332 : memref<1x1x64x128xf32, #tpu.memory_space<vmem>> -> memref<64x128xf32, #tpu.memory_space<vmem>>
        %dma_wait3A_334 = arith.constant 0 : i32
        %dma_wait3A_335 = arith.constant 0 : i32
        %dma_wait3A_336 = tpu.memref_slice %arg5[%dma_wait3A_334, %dma_wait3A_335] : memref<64x1000000xf32, #tpu.memory_space<hbm>> -> memref<64x128xf32, #tpu.memory_space<hbm>>
        tpu.wait_dma2 semaphore(%arg15 : memref<!tpu.dma_semaphore, #tpu.memory_space<semaphore_mem>>) src(%dma_wait3A_336 : memref<64x128xf32, #tpu.memory_space<hbm>>) dst(%dma_wait3A_333 : memref<64x128xf32, #tpu.memory_space<vmem>>)
        %iota3A = tpu.iota {dimensions = array<i32: 0>} : vector<16xi32>
        %eq3A = arith.constant 0 : i32
        %eq3A_337 = vector.broadcast %eq3A : i32 to vector<16xi32>
        %eq3A_338 = arith.cmpi eq, %iota3A, %eq3A_337 : vector<16xi32>
        %mul3A_339 = arith.constant 1 : i32
        %mul3A_340 = arith.muli %add3A_223, %mul3A_339 : i32
        %add3A_341 = arith.constant 0 : i32
        %add3A_342 = arith.addi %mul3A_340, %add3A_341 : i32
        %broadcast_in_dim3A_343 = vector.broadcast %add3A_342 : i32 to vector<16xi32>
        %gather3A_344 = tpu.vector_load_idx %arg9[%broadcast_in_dim3A_343] : memref<512xi32, #tpu.memory_space<vmem>>[vector<16xi32>], vector<16xi32>,
        %broadcast_in_dim3A_345 = vector.broadcast %add3A_342 : i32 to vector<16xi32>
        %gather3A_346 = tpu.vector_load_idx %arg10[%broadcast_in_dim3A_345] : memref<512xi32, #tpu.memory_space<vmem>>[vector<16xi32>], vector<16xi32>,
        %iota3A_347 = tpu.iota {dimensions = array<i32: 0>} : vector<16xi32>
        %add3A_348 = arith.constant 0 : i32
        %add3A_349 = vector.broadcast %add3A_348 : i32 to vector<16xi32>
        %add3A_350 = arith.addi %add3A_349, %iota3A_347 : vector<16xi32>
        %gather3A_351 = arith.constant 1 : i32
        %gather3A_352 = arith.constant 0 : i32
        %gather3A_353 = arith.constant 0 : i32
        %gather3A_354 = arith.constant 0 : i32
        %gather3A_355 = tpu.memref_slice %arg11[%gather3A_351, %gather3A_352, %gather3A_353, %gather3A_354] : memref<7x1x64x128xf32, #tpu.memory_space<vmem>> -> memref<1x1x64x128xf32, #tpu.memory_space<vmem>>
        %gather3A_356 = tpu.memref_squeeze %gather3A_355 : memref<1x1x64x128xf32, #tpu.memory_space<vmem>> -> memref<64x128xf32, #tpu.memory_space<vmem>>
        %gather3A_357 = tpu.vector_load_idx %gather3A_356[%add3A_350, %gather3A_344] : memref<64x128xf32, #tpu.memory_space<vmem>>[vector<16xi32>, vector<16xi32>], vector<16xf32>,
        %gather3A_358 = arith.constant 1 : i32
        %gather3A_359 = arith.constant 0 : i32
        %gather3A_360 = arith.constant 0 : i32
        %gather3A_361 = arith.constant 0 : i32
        %gather3A_362 = tpu.memref_slice %arg12[%gather3A_358, %gather3A_359, %gather3A_360, %gather3A_361] : memref<7x1x64x128xf32, #tpu.memory_space<vmem>> -> memref<1x1x64x128xf32, #tpu.memory_space<vmem>>
        %gather3A_363 = tpu.memref_squeeze %gather3A_362 : memref<1x1x64x128xf32, #tpu.memory_space<vmem>> -> memref<64x128xf32, #tpu.memory_space<vmem>>
        %gather3A_364 = tpu.vector_load_idx %gather3A_363[%add3A_350, %gather3A_346] : memref<64x128xf32, #tpu.memory_space<vmem>>[vector<16xi32>, vector<16xi32>], vector<16xf32>,
        %mul3A_365 = arith.mulf %gather3A_357, %gather3A_364 : vector<16xf32>
        %iota3A_366 = tpu.iota {dimensions = array<i32: 0>} : vector<16xi32>
        %add3A_367 = arith.constant 16 : i32
        %add3A_368 = vector.broadcast %add3A_367 : i32 to vector<16xi32>
        %add3A_369 = arith.addi %add3A_368, %iota3A_366 : vector<16xi32>
        %gather3A_370 = arith.constant 1 : i32
        %gather3A_371 = arith.constant 0 : i32
        %gather3A_372 = arith.constant 0 : i32
        %gather3A_373 = arith.constant 0 : i32
        %gather3A_374 = tpu.memref_slice %arg11[%gather3A_370, %gather3A_371, %gather3A_372, %gather3A_373] : memref<7x1x64x128xf32, #tpu.memory_space<vmem>> -> memref<1x1x64x128xf32, #tpu.memory_space<vmem>>
        %gather3A_375 = tpu.memref_squeeze %gather3A_374 : memref<1x1x64x128xf32, #tpu.memory_space<vmem>> -> memref<64x128xf32, #tpu.memory_space<vmem>>
        %gather3A_376 = tpu.vector_load_idx %gather3A_375[%add3A_369, %gather3A_344] : memref<64x128xf32, #tpu.memory_space<vmem>>[vector<16xi32>, vector<16xi32>], vector<16xf32>,
        %gather3A_377 = arith.constant 1 : i32
        %gather3A_378 = arith.constant 0 : i32
        %gather3A_379 = arith.constant 0 : i32
        %gather3A_380 = arith.constant 0 : i32
        %gather3A_381 = tpu.memref_slice %arg12[%gather3A_377, %gather3A_378, %gather3A_379, %gather3A_380] : memref<7x1x64x128xf32, #tpu.memory_space<vmem>> -> memref<1x1x64x128xf32, #tpu.memory_space<vmem>>
        %gather3A_382 = tpu.memref_squeeze %gather3A_381 : memref<1x1x64x128xf32, #tpu.memory_space<vmem>> -> memref<64x128xf32, #tpu.memory_space<vmem>>
        %gather3A_383 = tpu.vector_load_idx %gather3A_382[%add3A_369, %gather3A_346] : memref<64x128xf32, #tpu.memory_space<vmem>>[vector<16xi32>, vector<16xi32>], vector<16xf32>,
        %mul3A_384 = arith.mulf %gather3A_376, %gather3A_383 : vector<16xf32>
        %add3A_385 = arith.addf %mul3A_365, %mul3A_384 : vector<16xf32>
        %iota3A_386 = tpu.iota {dimensions = array<i32: 0>} : vector<16xi32>
        %add3A_387 = arith.constant 32 : i32
        %add3A_388 = vector.broadcast %add3A_387 : i32 to vector<16xi32>
        %add3A_389 = arith.addi %add3A_388, %iota3A_386 : vector<16xi32>
        %gather3A_390 = arith.constant 1 : i32
        %gather3A_391 = arith.constant 0 : i32
        %gather3A_392 = arith.constant 0 : i32
        %gather3A_393 = arith.constant 0 : i32
        %gather3A_394 = tpu.memref_slice %arg11[%gather3A_390, %gather3A_391, %gather3A_392, %gather3A_393] : memref<7x1x64x128xf32, #tpu.memory_space<vmem>> -> memref<1x1x64x128xf32, #tpu.memory_space<vmem>>
        %gather3A_395 = tpu.memref_squeeze %gather3A_394 : memref<1x1x64x128xf32, #tpu.memory_space<vmem>> -> memref<64x128xf32, #tpu.memory_space<vmem>>
        %gather3A_396 = tpu.vector_load_idx %gather3A_395[%add3A_389, %gather3A_344] : memref<64x128xf32, #tpu.memory_space<vmem>>[vector<16xi32>, vector<16xi32>], vector<16xf32>,
        %gather3A_397 = arith.constant 1 : i32
        %gather3A_398 = arith.constant 0 : i32
        %gather3A_399 = arith.constant 0 : i32
        %gather3A_400 = arith.constant 0 : i32
        %gather3A_401 = tpu.memref_slice %arg12[%gather3A_397, %gather3A_398, %gather3A_399, %gather3A_400] : memref<7x1x64x128xf32, #tpu.memory_space<vmem>> -> memref<1x1x64x128xf32, #tpu.memory_space<vmem>>
        %gather3A_402 = tpu.memref_squeeze %gather3A_401 : memref<1x1x64x128xf32, #tpu.memory_space<vmem>> -> memref<64x128xf32, #tpu.memory_space<vmem>>
        %gather3A_403 = tpu.vector_load_idx %gather3A_402[%add3A_389, %gather3A_346] : memref<64x128xf32, #tpu.memory_space<vmem>>[vector<16xi32>, vector<16xi32>], vector<16xf32>,
        %mul3A_404 = arith.mulf %gather3A_396, %gather3A_403 : vector<16xf32>
        %add3A_405 = arith.addf %add3A_385, %mul3A_404 : vector<16xf32>
        %iota3A_406 = tpu.iota {dimensions = array<i32: 0>} : vector<16xi32>
        %add3A_407 = arith.constant 48 : i32
        %add3A_408 = vector.broadcast %add3A_407 : i32 to vector<16xi32>
        %add3A_409 = arith.addi %add3A_408, %iota3A_406 : vector<16xi32>
        %gather3A_410 = arith.constant 1 : i32
        %gather3A_411 = arith.constant 0 : i32
        %gather3A_412 = arith.constant 0 : i32
        %gather3A_413 = arith.constant 0 : i32
        %gather3A_414 = tpu.memref_slice %arg11[%gather3A_410, %gather3A_411, %gather3A_412, %gather3A_413] : memref<7x1x64x128xf32, #tpu.memory_space<vmem>> -> memref<1x1x64x128xf32, #tpu.memory_space<vmem>>
        %gather3A_415 = tpu.memref_squeeze %gather3A_414 : memref<1x1x64x128xf32, #tpu.memory_space<vmem>> -> memref<64x128xf32, #tpu.memory_space<vmem>>
        %gather3A_416 = tpu.vector_load_idx %gather3A_415[%add3A_409, %gather3A_344] : memref<64x128xf32, #tpu.memory_space<vmem>>[vector<16xi32>, vector<16xi32>], vector<16xf32>,
        %gather3A_417 = arith.constant 1 : i32
        %gather3A_418 = arith.constant 0 : i32
        %gather3A_419 = arith.constant 0 : i32
        %gather3A_420 = arith.constant 0 : i32
        %gather3A_421 = tpu.memref_slice %arg12[%gather3A_417, %gather3A_418, %gather3A_419, %gather3A_420] : memref<7x1x64x128xf32, #tpu.memory_space<vmem>> -> memref<1x1x64x128xf32, #tpu.memory_space<vmem>>
        %gather3A_422 = tpu.memref_squeeze %gather3A_421 : memref<1x1x64x128xf32, #tpu.memory_space<vmem>> -> memref<64x128xf32, #tpu.memory_space<vmem>>
        %gather3A_423 = tpu.vector_load_idx %gather3A_422[%add3A_409, %gather3A_346] : memref<64x128xf32, #tpu.memory_space<vmem>>[vector<16xi32>, vector<16xi32>], vector<16xf32>,
        %mul3A_424 = arith.mulf %gather3A_416, %gather3A_423 : vector<16xf32>
        %add3A_425 = arith.addf %add3A_405, %mul3A_424 : vector<16xf32>
        %reduce_sum3A = arith.constant true
        %reduce_sum3A_426 = vector.broadcast %reduce_sum3A : i1 to vector<16xi1>
        %reduce_sum3A_427 = tpu.scan <sum>, %add3A_425 masked %reduce_sum3A_426 : vector<16xf32>, vector<16xi1> -> vector<16xf32>
        %reduce_sum3A_428 = vector.extract %reduce_sum3A_427[15] : f32 from vector<16xf32>
        %broadcast_in_dim3A_429 = vector.broadcast %reduce_sum3A_428 : f32 to vector<16xf32>
        %broadcast_in_dim3A_430 = vector.broadcast %add3A_342 : i32 to vector<16xi32>
        tpu.vector_store_idx %arg13[%broadcast_in_dim3A_430], %broadcast_in_dim3A_429 masked %eq3A_338 : memref<512xf32, #tpu.memory_space<vmem>>[vector<16xi32>], vector<16xf32>, vector<16xi1>
      } else {
      }
      %add3A_236 = arith.constant 2 : i32
      %add3A_237 = arith.addi %mul3A_210, %add3A_236 : i32
      %add3A_238 = arith.constant 5 : i32
      %add3A_239 = arith.addi %add3A_237, %add3A_238 : i32
      %lt3A_240 = arith.constant 512 : i32
      %lt3A_241 = arith.cmpi slt, %add3A_239, %lt3A_240 : i32
      %convert_element_type3A_242 = arith.extui %lt3A_241 : i1 to i32
      %cond3A_243 = arith.constant 0 : i32
      %cond3A_244 = arith.cmpi ne, %convert_element_type3A_242, %cond3A_243 : i32
      scf.if %cond3A_244 {
        %add3A_306 = arith.constant 5 : i32
        %add3A_307 = arith.addi %add3A_237, %add3A_306 : i32
        %mul3A_308 = arith.constant 1 : i32
        %mul3A_309 = arith.muli %add3A_307, %mul3A_308 : i32
        %add3A_310 = arith.constant 0 : i32
        %add3A_311 = arith.addi %mul3A_309, %add3A_310 : i32
        %broadcast_in_dim3A_312 = vector.broadcast %add3A_311 : i32 to vector<16xi32>
        %gather3A_313 = tpu.vector_load_idx %arg7[%broadcast_in_dim3A_312] : memref<512xi32, #tpu.memory_space<vmem>>[vector<16xi32>], vector<16xi32>,
        %slice3A_314 = vector.extract_strided_slice %gather3A_313 {offsets = [0], sizes = [1], strides = [1]} : vector<16xi32> to vector<1xi32>
        %squeeze3A_315 = vector.extract %slice3A_314[0] : i32 from vector<1xi32>
        %broadcast_in_dim3A_316 = vector.broadcast %add3A_311 : i32 to vector<16xi32>
        %gather3A_317 = tpu.vector_load_idx %arg8[%broadcast_in_dim3A_316] : memref<512xi32, #tpu.memory_space<vmem>>[vector<16xi32>], vector<16xi32>,
        %slice3A_318 = vector.extract_strided_slice %gather3A_317 {offsets = [0], sizes = [1], strides = [1]} : vector<16xi32> to vector<1xi32>
        %squeeze3A_319 = vector.extract %slice3A_318[0] : i32 from vector<1xi32>
        %multiple_of3A_320 = tpu.assume_multiple %squeeze3A_315, 128 : i32
        %dma_start3A_321 = arith.constant 0 : i32
        %dma_start3A_322 = arith.constant 0 : i32
        %dma_start3A_323 = arith.constant 0 : i32
        %dma_start3A_324 = arith.constant 0 : i32
        %dma_start3A_325 = tpu.memref_slice %arg11[%dma_start3A_321, %dma_start3A_322, %dma_start3A_323, %dma_start3A_324] : memref<7x1x64x128xf32, #tpu.memory_space<vmem>> -> memref<1x1x64x128xf32, #tpu.memory_space<vmem>>
        %dma_start3A_326 = tpu.memref_squeeze %dma_start3A_325 : memref<1x1x64x128xf32, #tpu.memory_space<vmem>> -> memref<64x128xf32, #tpu.memory_space<vmem>>
        %dma_start3A_327 = arith.constant 0 : i32
        %dma_start3A_328 = tpu.memref_slice %arg4[%dma_start3A_327, %multiple_of3A_320] : memref<64x1000000xf32, #tpu.memory_space<hbm>> -> memref<64x128xf32, #tpu.memory_space<hbm>>
        %dma_start3A_329 = arith.constant 0 : i32
        %dma_start3A_330 = arith.constant 0 : i32
        %dma_start3A_331 = tpu.memref_slice %arg11[%dma_start3A_321, %dma_start3A_322, %dma_start3A_329, %dma_start3A_330] : memref<7x1x64x128xf32, #tpu.memory_space<vmem>> -> memref<1x1x64x128xf32, #tpu.memory_space<vmem>>
        %dma_start3A_332 = tpu.memref_squeeze %dma_start3A_331 : memref<1x1x64x128xf32, #tpu.memory_space<vmem>> -> memref<64x128xf32, #tpu.memory_space<vmem>>
        %dma_start3A_333 = arith.constant 0 : i32
        %dma_start3A_334 = tpu.memref_slice %arg4[%dma_start3A_333, %multiple_of3A_320] : memref<64x1000000xf32, #tpu.memory_space<hbm>> -> memref<64x128xf32, #tpu.memory_space<hbm>>
        tpu.enqueue_dma source(%dma_start3A_334 : memref<64x128xf32, #tpu.memory_space<hbm>>) target(%dma_start3A_332 : memref<64x128xf32, #tpu.memory_space<vmem>>) target_semaphore(%arg14 : memref<!tpu.dma_semaphore, #tpu.memory_space<semaphore_mem>>)
        %multiple_of3A_335 = tpu.assume_multiple %squeeze3A_319, 128 : i32
        %dma_start3A_336 = arith.constant 0 : i32
        %dma_start3A_337 = arith.constant 0 : i32
        %dma_start3A_338 = arith.constant 0 : i32
        %dma_start3A_339 = arith.constant 0 : i32
        %dma_start3A_340 = tpu.memref_slice %arg12[%dma_start3A_336, %dma_start3A_337, %dma_start3A_338, %dma_start3A_339] : memref<7x1x64x128xf32, #tpu.memory_space<vmem>> -> memref<1x1x64x128xf32, #tpu.memory_space<vmem>>
        %dma_start3A_341 = tpu.memref_squeeze %dma_start3A_340 : memref<1x1x64x128xf32, #tpu.memory_space<vmem>> -> memref<64x128xf32, #tpu.memory_space<vmem>>
        %dma_start3A_342 = arith.constant 0 : i32
        %dma_start3A_343 = tpu.memref_slice %arg5[%dma_start3A_342, %multiple_of3A_335] : memref<64x1000000xf32, #tpu.memory_space<hbm>> -> memref<64x128xf32, #tpu.memory_space<hbm>>
        %dma_start3A_344 = arith.constant 0 : i32
        %dma_start3A_345 = arith.constant 0 : i32
        %dma_start3A_346 = tpu.memref_slice %arg12[%dma_start3A_336, %dma_start3A_337, %dma_start3A_344, %dma_start3A_345] : memref<7x1x64x128xf32, #tpu.memory_space<vmem>> -> memref<1x1x64x128xf32, #tpu.memory_space<vmem>>
        %dma_start3A_347 = tpu.memref_squeeze %dma_start3A_346 : memref<1x1x64x128xf32, #tpu.memory_space<vmem>> -> memref<64x128xf32, #tpu.memory_space<vmem>>
        %dma_start3A_348 = arith.constant 0 : i32
        %dma_start3A_349 = tpu.memref_slice %arg5[%dma_start3A_348, %multiple_of3A_335] : memref<64x1000000xf32, #tpu.memory_space<hbm>> -> memref<64x128xf32, #tpu.memory_space<hbm>>
        tpu.enqueue_dma source(%dma_start3A_349 : memref<64x128xf32, #tpu.memory_space<hbm>>) target(%dma_start3A_347 : memref<64x128xf32, #tpu.memory_space<vmem>>) target_semaphore(%arg14 : memref<!tpu.dma_semaphore, #tpu.memory_space<semaphore_mem>>)
      } else {
      }
      %lt3A_245 = arith.constant 512 : i32
      %lt3A_246 = arith.cmpi slt, %add3A_237, %lt3A_245 : i32
      %convert_element_type3A_247 = arith.extui %lt3A_246 : i1 to i32
      %cond3A_248 = arith.constant 0 : i32
      %cond3A_249 = arith.cmpi ne, %convert_element_type3A_247, %cond3A_248 : i32
      scf.if %cond3A_249 {
        %dma_wait3A = arith.constant 2 : i32
        %dma_wait3A_306 = arith.constant 0 : i32
        %dma_wait3A_307 = arith.constant 0 : i32
        %dma_wait3A_308 = arith.constant 0 : i32
        %dma_wait3A_309 = tpu.memref_slice %arg11[%dma_wait3A, %dma_wait3A_306, %dma_wait3A_307, %dma_wait3A_308] : memref<7x1x64x128xf32, #tpu.memory_space<vmem>> -> memref<1x1x64x128xf32, #tpu.memory_space<vmem>>
        %dma_wait3A_310 = tpu.memref_squeeze %dma_wait3A_309 : memref<1x1x64x128xf32, #tpu.memory_space<vmem>> -> memref<64x128xf32, #tpu.memory_space<vmem>>
        %dma_wait3A_311 = arith.constant 0 : i32
        %dma_wait3A_312 = arith.constant 0 : i32
        %dma_wait3A_313 = tpu.memref_slice %arg4[%dma_wait3A_311, %dma_wait3A_312] : memref<64x1000000xf32, #tpu.memory_space<hbm>> -> memref<64x128xf32, #tpu.memory_space<hbm>>
        %dma_wait3A_314 = arith.constant 0 : i32
        %dma_wait3A_315 = arith.constant 0 : i32
        %dma_wait3A_316 = tpu.memref_slice %arg11[%dma_wait3A, %dma_wait3A_306, %dma_wait3A_314, %dma_wait3A_315] : memref<7x1x64x128xf32, #tpu.memory_space<vmem>> -> memref<1x1x64x128xf32, #tpu.memory_space<vmem>>
        %dma_wait3A_317 = tpu.memref_squeeze %dma_wait3A_316 : memref<1x1x64x128xf32, #tpu.memory_space<vmem>> -> memref<64x128xf32, #tpu.memory_space<vmem>>
        %dma_wait3A_318 = arith.constant 0 : i32
        %dma_wait3A_319 = arith.constant 0 : i32
        %dma_wait3A_320 = tpu.memref_slice %arg4[%dma_wait3A_318, %dma_wait3A_319] : memref<64x1000000xf32, #tpu.memory_space<hbm>> -> memref<64x128xf32, #tpu.memory_space<hbm>>
        tpu.wait_dma2 semaphore(%arg16 : memref<!tpu.dma_semaphore, #tpu.memory_space<semaphore_mem>>) src(%dma_wait3A_320 : memref<64x128xf32, #tpu.memory_space<hbm>>) dst(%dma_wait3A_317 : memref<64x128xf32, #tpu.memory_space<vmem>>)
        %dma_wait3A_321 = arith.constant 2 : i32
        %dma_wait3A_322 = arith.constant 0 : i32
        %dma_wait3A_323 = arith.constant 0 : i32
        %dma_wait3A_324 = arith.constant 0 : i32
        %dma_wait3A_325 = tpu.memref_slice %arg12[%dma_wait3A_321, %dma_wait3A_322, %dma_wait3A_323, %dma_wait3A_324] : memref<7x1x64x128xf32, #tpu.memory_space<vmem>> -> memref<1x1x64x128xf32, #tpu.memory_space<vmem>>
        %dma_wait3A_326 = tpu.memref_squeeze %dma_wait3A_325 : memref<1x1x64x128xf32, #tpu.memory_space<vmem>> -> memref<64x128xf32, #tpu.memory_space<vmem>>
        %dma_wait3A_327 = arith.constant 0 : i32
        %dma_wait3A_328 = arith.constant 0 : i32
        %dma_wait3A_329 = tpu.memref_slice %arg5[%dma_wait3A_327, %dma_wait3A_328] : memref<64x1000000xf32, #tpu.memory_space<hbm>> -> memref<64x128xf32, #tpu.memory_space<hbm>>
        %dma_wait3A_330 = arith.constant 0 : i32
        %dma_wait3A_331 = arith.constant 0 : i32
        %dma_wait3A_332 = tpu.memref_slice %arg12[%dma_wait3A_321, %dma_wait3A_322, %dma_wait3A_330, %dma_wait3A_331] : memref<7x1x64x128xf32, #tpu.memory_space<vmem>> -> memref<1x1x64x128xf32, #tpu.memory_space<vmem>>
        %dma_wait3A_333 = tpu.memref_squeeze %dma_wait3A_332 : memref<1x1x64x128xf32, #tpu.memory_space<vmem>> -> memref<64x128xf32, #tpu.memory_space<vmem>>
        %dma_wait3A_334 = arith.constant 0 : i32
        %dma_wait3A_335 = arith.constant 0 : i32
        %dma_wait3A_336 = tpu.memref_slice %arg5[%dma_wait3A_334, %dma_wait3A_335] : memref<64x1000000xf32, #tpu.memory_space<hbm>> -> memref<64x128xf32, #tpu.memory_space<hbm>>
        tpu.wait_dma2 semaphore(%arg16 : memref<!tpu.dma_semaphore, #tpu.memory_space<semaphore_mem>>) src(%dma_wait3A_336 : memref<64x128xf32, #tpu.memory_space<hbm>>) dst(%dma_wait3A_333 : memref<64x128xf32, #tpu.memory_space<vmem>>)
        %iota3A = tpu.iota {dimensions = array<i32: 0>} : vector<16xi32>
        %eq3A = arith.constant 0 : i32
        %eq3A_337 = vector.broadcast %eq3A : i32 to vector<16xi32>
        %eq3A_338 = arith.cmpi eq, %iota3A, %eq3A_337 : vector<16xi32>
        %mul3A_339 = arith.constant 1 : i32
        %mul3A_340 = arith.muli %add3A_237, %mul3A_339 : i32
        %add3A_341 = arith.constant 0 : i32
        %add3A_342 = arith.addi %mul3A_340, %add3A_341 : i32
        %broadcast_in_dim3A_343 = vector.broadcast %add3A_342 : i32 to vector<16xi32>
        %gather3A_344 = tpu.vector_load_idx %arg9[%broadcast_in_dim3A_343] : memref<512xi32, #tpu.memory_space<vmem>>[vector<16xi32>], vector<16xi32>,
        %broadcast_in_dim3A_345 = vector.broadcast %add3A_342 : i32 to vector<16xi32>
        %gather3A_346 = tpu.vector_load_idx %arg10[%broadcast_in_dim3A_345] : memref<512xi32, #tpu.memory_space<vmem>>[vector<16xi32>], vector<16xi32>,
        %iota3A_347 = tpu.iota {dimensions = array<i32: 0>} : vector<16xi32>
        %add3A_348 = arith.constant 0 : i32
        %add3A_349 = vector.broadcast %add3A_348 : i32 to vector<16xi32>
        %add3A_350 = arith.addi %add3A_349, %iota3A_347 : vector<16xi32>
        %gather3A_351 = arith.constant 2 : i32
        %gather3A_352 = arith.constant 0 : i32
        %gather3A_353 = arith.constant 0 : i32
        %gather3A_354 = arith.constant 0 : i32
        %gather3A_355 = tpu.memref_slice %arg11[%gather3A_351, %gather3A_352, %gather3A_353, %gather3A_354] : memref<7x1x64x128xf32, #tpu.memory_space<vmem>> -> memref<1x1x64x128xf32, #tpu.memory_space<vmem>>
        %gather3A_356 = tpu.memref_squeeze %gather3A_355 : memref<1x1x64x128xf32, #tpu.memory_space<vmem>> -> memref<64x128xf32, #tpu.memory_space<vmem>>
        %gather3A_357 = tpu.vector_load_idx %gather3A_356[%add3A_350, %gather3A_344] : memref<64x128xf32, #tpu.memory_space<vmem>>[vector<16xi32>, vector<16xi32>], vector<16xf32>,
        %gather3A_358 = arith.constant 2 : i32
        %gather3A_359 = arith.constant 0 : i32
        %gather3A_360 = arith.constant 0 : i32
        %gather3A_361 = arith.constant 0 : i32
        %gather3A_362 = tpu.memref_slice %arg12[%gather3A_358, %gather3A_359, %gather3A_360, %gather3A_361] : memref<7x1x64x128xf32, #tpu.memory_space<vmem>> -> memref<1x1x64x128xf32, #tpu.memory_space<vmem>>
        %gather3A_363 = tpu.memref_squeeze %gather3A_362 : memref<1x1x64x128xf32, #tpu.memory_space<vmem>> -> memref<64x128xf32, #tpu.memory_space<vmem>>
        %gather3A_364 = tpu.vector_load_idx %gather3A_363[%add3A_350, %gather3A_346] : memref<64x128xf32, #tpu.memory_space<vmem>>[vector<16xi32>, vector<16xi32>], vector<16xf32>,
        %mul3A_365 = arith.mulf %gather3A_357, %gather3A_364 : vector<16xf32>
        %iota3A_366 = tpu.iota {dimensions = array<i32: 0>} : vector<16xi32>
        %add3A_367 = arith.constant 16 : i32
        %add3A_368 = vector.broadcast %add3A_367 : i32 to vector<16xi32>
        %add3A_369 = arith.addi %add3A_368, %iota3A_366 : vector<16xi32>
        %gather3A_370 = arith.constant 2 : i32
        %gather3A_371 = arith.constant 0 : i32
        %gather3A_372 = arith.constant 0 : i32
        %gather3A_373 = arith.constant 0 : i32
        %gather3A_374 = tpu.memref_slice %arg11[%gather3A_370, %gather3A_371, %gather3A_372, %gather3A_373] : memref<7x1x64x128xf32, #tpu.memory_space<vmem>> -> memref<1x1x64x128xf32, #tpu.memory_space<vmem>>
        %gather3A_375 = tpu.memref_squeeze %gather3A_374 : memref<1x1x64x128xf32, #tpu.memory_space<vmem>> -> memref<64x128xf32, #tpu.memory_space<vmem>>
        %gather3A_376 = tpu.vector_load_idx %gather3A_375[%add3A_369, %gather3A_344] : memref<64x128xf32, #tpu.memory_space<vmem>>[vector<16xi32>, vector<16xi32>], vector<16xf32>,
        %gather3A_377 = arith.constant 2 : i32
        %gather3A_378 = arith.constant 0 : i32
        %gather3A_379 = arith.constant 0 : i32
        %gather3A_380 = arith.constant 0 : i32
        %gather3A_381 = tpu.memref_slice %arg12[%gather3A_377, %gather3A_378, %gather3A_379, %gather3A_380] : memref<7x1x64x128xf32, #tpu.memory_space<vmem>> -> memref<1x1x64x128xf32, #tpu.memory_space<vmem>>
        %gather3A_382 = tpu.memref_squeeze %gather3A_381 : memref<1x1x64x128xf32, #tpu.memory_space<vmem>> -> memref<64x128xf32, #tpu.memory_space<vmem>>
        %gather3A_383 = tpu.vector_load_idx %gather3A_382[%add3A_369, %gather3A_346] : memref<64x128xf32, #tpu.memory_space<vmem>>[vector<16xi32>, vector<16xi32>], vector<16xf32>,
        %mul3A_384 = arith.mulf %gather3A_376, %gather3A_383 : vector<16xf32>
        %add3A_385 = arith.addf %mul3A_365, %mul3A_384 : vector<16xf32>
        %iota3A_386 = tpu.iota {dimensions = array<i32: 0>} : vector<16xi32>
        %add3A_387 = arith.constant 32 : i32
        %add3A_388 = vector.broadcast %add3A_387 : i32 to vector<16xi32>
        %add3A_389 = arith.addi %add3A_388, %iota3A_386 : vector<16xi32>
        %gather3A_390 = arith.constant 2 : i32
        %gather3A_391 = arith.constant 0 : i32
        %gather3A_392 = arith.constant 0 : i32
        %gather3A_393 = arith.constant 0 : i32
        %gather3A_394 = tpu.memref_slice %arg11[%gather3A_390, %gather3A_391, %gather3A_392, %gather3A_393] : memref<7x1x64x128xf32, #tpu.memory_space<vmem>> -> memref<1x1x64x128xf32, #tpu.memory_space<vmem>>
        %gather3A_395 = tpu.memref_squeeze %gather3A_394 : memref<1x1x64x128xf32, #tpu.memory_space<vmem>> -> memref<64x128xf32, #tpu.memory_space<vmem>>
        %gather3A_396 = tpu.vector_load_idx %gather3A_395[%add3A_389, %gather3A_344] : memref<64x128xf32, #tpu.memory_space<vmem>>[vector<16xi32>, vector<16xi32>], vector<16xf32>,
        %gather3A_397 = arith.constant 2 : i32
        %gather3A_398 = arith.constant 0 : i32
        %gather3A_399 = arith.constant 0 : i32
        %gather3A_400 = arith.constant 0 : i32
        %gather3A_401 = tpu.memref_slice %arg12[%gather3A_397, %gather3A_398, %gather3A_399, %gather3A_400] : memref<7x1x64x128xf32, #tpu.memory_space<vmem>> -> memref<1x1x64x128xf32, #tpu.memory_space<vmem>>
        %gather3A_402 = tpu.memref_squeeze %gather3A_401 : memref<1x1x64x128xf32, #tpu.memory_space<vmem>> -> memref<64x128xf32, #tpu.memory_space<vmem>>
        %gather3A_403 = tpu.vector_load_idx %gather3A_402[%add3A_389, %gather3A_346] : memref<64x128xf32, #tpu.memory_space<vmem>>[vector<16xi32>, vector<16xi32>], vector<16xf32>,
        %mul3A_404 = arith.mulf %gather3A_396, %gather3A_403 : vector<16xf32>
        %add3A_405 = arith.addf %add3A_385, %mul3A_404 : vector<16xf32>
        %iota3A_406 = tpu.iota {dimensions = array<i32: 0>} : vector<16xi32>
        %add3A_407 = arith.constant 48 : i32
        %add3A_408 = vector.broadcast %add3A_407 : i32 to vector<16xi32>
        %add3A_409 = arith.addi %add3A_408, %iota3A_406 : vector<16xi32>
        %gather3A_410 = arith.constant 2 : i32
        %gather3A_411 = arith.constant 0 : i32
        %gather3A_412 = arith.constant 0 : i32
        %gather3A_413 = arith.constant 0 : i32
        %gather3A_414 = tpu.memref_slice %arg11[%gather3A_410, %gather3A_411, %gather3A_412, %gather3A_413] : memref<7x1x64x128xf32, #tpu.memory_space<vmem>> -> memref<1x1x64x128xf32, #tpu.memory_space<vmem>>
        %gather3A_415 = tpu.memref_squeeze %gather3A_414 : memref<1x1x64x128xf32, #tpu.memory_space<vmem>> -> memref<64x128xf32, #tpu.memory_space<vmem>>
        %gather3A_416 = tpu.vector_load_idx %gather3A_415[%add3A_409, %gather3A_344] : memref<64x128xf32, #tpu.memory_space<vmem>>[vector<16xi32>, vector<16xi32>], vector<16xf32>,
        %gather3A_417 = arith.constant 2 : i32
        %gather3A_418 = arith.constant 0 : i32
        %gather3A_419 = arith.constant 0 : i32
        %gather3A_420 = arith.constant 0 : i32
        %gather3A_421 = tpu.memref_slice %arg12[%gather3A_417, %gather3A_418, %gather3A_419, %gather3A_420] : memref<7x1x64x128xf32, #tpu.memory_space<vmem>> -> memref<1x1x64x128xf32, #tpu.memory_space<vmem>>
        %gather3A_422 = tpu.memref_squeeze %gather3A_421 : memref<1x1x64x128xf32, #tpu.memory_space<vmem>> -> memref<64x128xf32, #tpu.memory_space<vmem>>
        %gather3A_423 = tpu.vector_load_idx %gather3A_422[%add3A_409, %gather3A_346] : memref<64x128xf32, #tpu.memory_space<vmem>>[vector<16xi32>, vector<16xi32>], vector<16xf32>,
        %mul3A_424 = arith.mulf %gather3A_416, %gather3A_423 : vector<16xf32>
        %add3A_425 = arith.addf %add3A_405, %mul3A_424 : vector<16xf32>
        %reduce_sum3A = arith.constant true
        %reduce_sum3A_426 = vector.broadcast %reduce_sum3A : i1 to vector<16xi1>
        %reduce_sum3A_427 = tpu.scan <sum>, %add3A_425 masked %reduce_sum3A_426 : vector<16xf32>, vector<16xi1> -> vector<16xf32>
        %reduce_sum3A_428 = vector.extract %reduce_sum3A_427[15] : f32 from vector<16xf32>
        %broadcast_in_dim3A_429 = vector.broadcast %reduce_sum3A_428 : f32 to vector<16xf32>
        %broadcast_in_dim3A_430 = vector.broadcast %add3A_342 : i32 to vector<16xi32>
        tpu.vector_store_idx %arg13[%broadcast_in_dim3A_430], %broadcast_in_dim3A_429 masked %eq3A_338 : memref<512xf32, #tpu.memory_space<vmem>>[vector<16xi32>], vector<16xf32>, vector<16xi1>
      } else {
      }
      %add3A_250 = arith.constant 3 : i32
      %add3A_251 = arith.addi %mul3A_210, %add3A_250 : i32
      %add3A_252 = arith.constant 5 : i32
      %add3A_253 = arith.addi %add3A_251, %add3A_252 : i32
      %lt3A_254 = arith.constant 512 : i32
      %lt3A_255 = arith.cmpi slt, %add3A_253, %lt3A_254 : i32
      %convert_element_type3A_256 = arith.extui %lt3A_255 : i1 to i32
      %cond3A_257 = arith.constant 0 : i32
      %cond3A_258 = arith.cmpi ne, %convert_element_type3A_256, %cond3A_257 : i32
      scf.if %cond3A_258 {
        %add3A_306 = arith.constant 5 : i32
        %add3A_307 = arith.addi %add3A_251, %add3A_306 : i32
        %mul3A_308 = arith.constant 1 : i32
        %mul3A_309 = arith.muli %add3A_307, %mul3A_308 : i32
        %add3A_310 = arith.constant 0 : i32
        %add3A_311 = arith.addi %mul3A_309, %add3A_310 : i32
        %broadcast_in_dim3A_312 = vector.broadcast %add3A_311 : i32 to vector<16xi32>
        %gather3A_313 = tpu.vector_load_idx %arg7[%broadcast_in_dim3A_312] : memref<512xi32, #tpu.memory_space<vmem>>[vector<16xi32>], vector<16xi32>,
        %slice3A_314 = vector.extract_strided_slice %gather3A_313 {offsets = [0], sizes = [1], strides = [1]} : vector<16xi32> to vector<1xi32>
        %squeeze3A_315 = vector.extract %slice3A_314[0] : i32 from vector<1xi32>
        %broadcast_in_dim3A_316 = vector.broadcast %add3A_311 : i32 to vector<16xi32>
        %gather3A_317 = tpu.vector_load_idx %arg8[%broadcast_in_dim3A_316] : memref<512xi32, #tpu.memory_space<vmem>>[vector<16xi32>], vector<16xi32>,
        %slice3A_318 = vector.extract_strided_slice %gather3A_317 {offsets = [0], sizes = [1], strides = [1]} : vector<16xi32> to vector<1xi32>
        %squeeze3A_319 = vector.extract %slice3A_318[0] : i32 from vector<1xi32>
        %multiple_of3A_320 = tpu.assume_multiple %squeeze3A_315, 128 : i32
        %dma_start3A_321 = arith.constant 1 : i32
        %dma_start3A_322 = arith.constant 0 : i32
        %dma_start3A_323 = arith.constant 0 : i32
        %dma_start3A_324 = arith.constant 0 : i32
        %dma_start3A_325 = tpu.memref_slice %arg11[%dma_start3A_321, %dma_start3A_322, %dma_start3A_323, %dma_start3A_324] : memref<7x1x64x128xf32, #tpu.memory_space<vmem>> -> memref<1x1x64x128xf32, #tpu.memory_space<vmem>>
        %dma_start3A_326 = tpu.memref_squeeze %dma_start3A_325 : memref<1x1x64x128xf32, #tpu.memory_space<vmem>> -> memref<64x128xf32, #tpu.memory_space<vmem>>
        %dma_start3A_327 = arith.constant 0 : i32
        %dma_start3A_328 = tpu.memref_slice %arg4[%dma_start3A_327, %multiple_of3A_320] : memref<64x1000000xf32, #tpu.memory_space<hbm>> -> memref<64x128xf32, #tpu.memory_space<hbm>>
        %dma_start3A_329 = arith.constant 0 : i32
        %dma_start3A_330 = arith.constant 0 : i32
        %dma_start3A_331 = tpu.memref_slice %arg11[%dma_start3A_321, %dma_start3A_322, %dma_start3A_329, %dma_start3A_330] : memref<7x1x64x128xf32, #tpu.memory_space<vmem>> -> memref<1x1x64x128xf32, #tpu.memory_space<vmem>>
        %dma_start3A_332 = tpu.memref_squeeze %dma_start3A_331 : memref<1x1x64x128xf32, #tpu.memory_space<vmem>> -> memref<64x128xf32, #tpu.memory_space<vmem>>
        %dma_start3A_333 = arith.constant 0 : i32
        %dma_start3A_334 = tpu.memref_slice %arg4[%dma_start3A_333, %multiple_of3A_320] : memref<64x1000000xf32, #tpu.memory_space<hbm>> -> memref<64x128xf32, #tpu.memory_space<hbm>>
        tpu.enqueue_dma source(%dma_start3A_334 : memref<64x128xf32, #tpu.memory_space<hbm>>) target(%dma_start3A_332 : memref<64x128xf32, #tpu.memory_space<vmem>>) target_semaphore(%arg15 : memref<!tpu.dma_semaphore, #tpu.memory_space<semaphore_mem>>)
        %multiple_of3A_335 = tpu.assume_multiple %squeeze3A_319, 128 : i32
        %dma_start3A_336 = arith.constant 1 : i32
        %dma_start3A_337 = arith.constant 0 : i32
        %dma_start3A_338 = arith.constant 0 : i32
        %dma_start3A_339 = arith.constant 0 : i32
        %dma_start3A_340 = tpu.memref_slice %arg12[%dma_start3A_336, %dma_start3A_337, %dma_start3A_338, %dma_start3A_339] : memref<7x1x64x128xf32, #tpu.memory_space<vmem>> -> memref<1x1x64x128xf32, #tpu.memory_space<vmem>>
        %dma_start3A_341 = tpu.memref_squeeze %dma_start3A_340 : memref<1x1x64x128xf32, #tpu.memory_space<vmem>> -> memref<64x128xf32, #tpu.memory_space<vmem>>
        %dma_start3A_342 = arith.constant 0 : i32
        %dma_start3A_343 = tpu.memref_slice %arg5[%dma_start3A_342, %multiple_of3A_335] : memref<64x1000000xf32, #tpu.memory_space<hbm>> -> memref<64x128xf32, #tpu.memory_space<hbm>>
        %dma_start3A_344 = arith.constant 0 : i32
        %dma_start3A_345 = arith.constant 0 : i32
        %dma_start3A_346 = tpu.memref_slice %arg12[%dma_start3A_336, %dma_start3A_337, %dma_start3A_344, %dma_start3A_345] : memref<7x1x64x128xf32, #tpu.memory_space<vmem>> -> memref<1x1x64x128xf32, #tpu.memory_space<vmem>>
        %dma_start3A_347 = tpu.memref_squeeze %dma_start3A_346 : memref<1x1x64x128xf32, #tpu.memory_space<vmem>> -> memref<64x128xf32, #tpu.memory_space<vmem>>
        %dma_start3A_348 = arith.constant 0 : i32
        %dma_start3A_349 = tpu.memref_slice %arg5[%dma_start3A_348, %multiple_of3A_335] : memref<64x1000000xf32, #tpu.memory_space<hbm>> -> memref<64x128xf32, #tpu.memory_space<hbm>>
        tpu.enqueue_dma source(%dma_start3A_349 : memref<64x128xf32, #tpu.memory_space<hbm>>) target(%dma_start3A_347 : memref<64x128xf32, #tpu.memory_space<vmem>>) target_semaphore(%arg15 : memref<!tpu.dma_semaphore, #tpu.memory_space<semaphore_mem>>)
      } else {
      }
      %lt3A_259 = arith.constant 512 : i32
      %lt3A_260 = arith.cmpi slt, %add3A_251, %lt3A_259 : i32
      %convert_element_type3A_261 = arith.extui %lt3A_260 : i1 to i32
      %cond3A_262 = arith.constant 0 : i32
      %cond3A_263 = arith.cmpi ne, %convert_element_type3A_261, %cond3A_262 : i32
      scf.if %cond3A_263 {
        %dma_wait3A = arith.constant 3 : i32
        %dma_wait3A_306 = arith.constant 0 : i32
        %dma_wait3A_307 = arith.constant 0 : i32
        %dma_wait3A_308 = arith.constant 0 : i32
        %dma_wait3A_309 = tpu.memref_slice %arg11[%dma_wait3A, %dma_wait3A_306, %dma_wait3A_307, %dma_wait3A_308] : memref<7x1x64x128xf32, #tpu.memory_space<vmem>> -> memref<1x1x64x128xf32, #tpu.memory_space<vmem>>
        %dma_wait3A_310 = tpu.memref_squeeze %dma_wait3A_309 : memref<1x1x64x128xf32, #tpu.memory_space<vmem>> -> memref<64x128xf32, #tpu.memory_space<vmem>>
        %dma_wait3A_311 = arith.constant 0 : i32
        %dma_wait3A_312 = arith.constant 0 : i32
        %dma_wait3A_313 = tpu.memref_slice %arg4[%dma_wait3A_311, %dma_wait3A_312] : memref<64x1000000xf32, #tpu.memory_space<hbm>> -> memref<64x128xf32, #tpu.memory_space<hbm>>
        %dma_wait3A_314 = arith.constant 0 : i32
        %dma_wait3A_315 = arith.constant 0 : i32
        %dma_wait3A_316 = tpu.memref_slice %arg11[%dma_wait3A, %dma_wait3A_306, %dma_wait3A_314, %dma_wait3A_315] : memref<7x1x64x128xf32, #tpu.memory_space<vmem>> -> memref<1x1x64x128xf32, #tpu.memory_space<vmem>>
        %dma_wait3A_317 = tpu.memref_squeeze %dma_wait3A_316 : memref<1x1x64x128xf32, #tpu.memory_space<vmem>> -> memref<64x128xf32, #tpu.memory_space<vmem>>
        %dma_wait3A_318 = arith.constant 0 : i32
        %dma_wait3A_319 = arith.constant 0 : i32
        %dma_wait3A_320 = tpu.memref_slice %arg4[%dma_wait3A_318, %dma_wait3A_319] : memref<64x1000000xf32, #tpu.memory_space<hbm>> -> memref<64x128xf32, #tpu.memory_space<hbm>>
        tpu.wait_dma2 semaphore(%arg17 : memref<!tpu.dma_semaphore, #tpu.memory_space<semaphore_mem>>) src(%dma_wait3A_320 : memref<64x128xf32, #tpu.memory_space<hbm>>) dst(%dma_wait3A_317 : memref<64x128xf32, #tpu.memory_space<vmem>>)
        %dma_wait3A_321 = arith.constant 3 : i32
        %dma_wait3A_322 = arith.constant 0 : i32
        %dma_wait3A_323 = arith.constant 0 : i32
        %dma_wait3A_324 = arith.constant 0 : i32
        %dma_wait3A_325 = tpu.memref_slice %arg12[%dma_wait3A_321, %dma_wait3A_322, %dma_wait3A_323, %dma_wait3A_324] : memref<7x1x64x128xf32, #tpu.memory_space<vmem>> -> memref<1x1x64x128xf32, #tpu.memory_space<vmem>>
        %dma_wait3A_326 = tpu.memref_squeeze %dma_wait3A_325 : memref<1x1x64x128xf32, #tpu.memory_space<vmem>> -> memref<64x128xf32, #tpu.memory_space<vmem>>
        %dma_wait3A_327 = arith.constant 0 : i32
        %dma_wait3A_328 = arith.constant 0 : i32
        %dma_wait3A_329 = tpu.memref_slice %arg5[%dma_wait3A_327, %dma_wait3A_328] : memref<64x1000000xf32, #tpu.memory_space<hbm>> -> memref<64x128xf32, #tpu.memory_space<hbm>>
        %dma_wait3A_330 = arith.constant 0 : i32
        %dma_wait3A_331 = arith.constant 0 : i32
        %dma_wait3A_332 = tpu.memref_slice %arg12[%dma_wait3A_321, %dma_wait3A_322, %dma_wait3A_330, %dma_wait3A_331] : memref<7x1x64x128xf32, #tpu.memory_space<vmem>> -> memref<1x1x64x128xf32, #tpu.memory_space<vmem>>
        %dma_wait3A_333 = tpu.memref_squeeze %dma_wait3A_332 : memref<1x1x64x128xf32, #tpu.memory_space<vmem>> -> memref<64x128xf32, #tpu.memory_space<vmem>>
        %dma_wait3A_334 = arith.constant 0 : i32
        %dma_wait3A_335 = arith.constant 0 : i32
        %dma_wait3A_336 = tpu.memref_slice %arg5[%dma_wait3A_334, %dma_wait3A_335] : memref<64x1000000xf32, #tpu.memory_space<hbm>> -> memref<64x128xf32, #tpu.memory_space<hbm>>
        tpu.wait_dma2 semaphore(%arg17 : memref<!tpu.dma_semaphore, #tpu.memory_space<semaphore_mem>>) src(%dma_wait3A_336 : memref<64x128xf32, #tpu.memory_space<hbm>>) dst(%dma_wait3A_333 : memref<64x128xf32, #tpu.memory_space<vmem>>)
        %iota3A = tpu.iota {dimensions = array<i32: 0>} : vector<16xi32>
        %eq3A = arith.constant 0 : i32
        %eq3A_337 = vector.broadcast %eq3A : i32 to vector<16xi32>
        %eq3A_338 = arith.cmpi eq, %iota3A, %eq3A_337 : vector<16xi32>
        %mul3A_339 = arith.constant 1 : i32
        %mul3A_340 = arith.muli %add3A_251, %mul3A_339 : i32
        %add3A_341 = arith.constant 0 : i32
        %add3A_342 = arith.addi %mul3A_340, %add3A_341 : i32
        %broadcast_in_dim3A_343 = vector.broadcast %add3A_342 : i32 to vector<16xi32>
        %gather3A_344 = tpu.vector_load_idx %arg9[%broadcast_in_dim3A_343] : memref<512xi32, #tpu.memory_space<vmem>>[vector<16xi32>], vector<16xi32>,
        %broadcast_in_dim3A_345 = vector.broadcast %add3A_342 : i32 to vector<16xi32>
        %gather3A_346 = tpu.vector_load_idx %arg10[%broadcast_in_dim3A_345] : memref<512xi32, #tpu.memory_space<vmem>>[vector<16xi32>], vector<16xi32>,
        %iota3A_347 = tpu.iota {dimensions = array<i32: 0>} : vector<16xi32>
        %add3A_348 = arith.constant 0 : i32
        %add3A_349 = vector.broadcast %add3A_348 : i32 to vector<16xi32>
        %add3A_350 = arith.addi %add3A_349, %iota3A_347 : vector<16xi32>
        %gather3A_351 = arith.constant 3 : i32
        %gather3A_352 = arith.constant 0 : i32
        %gather3A_353 = arith.constant 0 : i32
        %gather3A_354 = arith.constant 0 : i32
        %gather3A_355 = tpu.memref_slice %arg11[%gather3A_351, %gather3A_352, %gather3A_353, %gather3A_354] : memref<7x1x64x128xf32, #tpu.memory_space<vmem>> -> memref<1x1x64x128xf32, #tpu.memory_space<vmem>>
        %gather3A_356 = tpu.memref_squeeze %gather3A_355 : memref<1x1x64x128xf32, #tpu.memory_space<vmem>> -> memref<64x128xf32, #tpu.memory_space<vmem>>
        %gather3A_357 = tpu.vector_load_idx %gather3A_356[%add3A_350, %gather3A_344] : memref<64x128xf32, #tpu.memory_space<vmem>>[vector<16xi32>, vector<16xi32>], vector<16xf32>,
        %gather3A_358 = arith.constant 3 : i32
        %gather3A_359 = arith.constant 0 : i32
        %gather3A_360 = arith.constant 0 : i32
        %gather3A_361 = arith.constant 0 : i32
        %gather3A_362 = tpu.memref_slice %arg12[%gather3A_358, %gather3A_359, %gather3A_360, %gather3A_361] : memref<7x1x64x128xf32, #tpu.memory_space<vmem>> -> memref<1x1x64x128xf32, #tpu.memory_space<vmem>>
        %gather3A_363 = tpu.memref_squeeze %gather3A_362 : memref<1x1x64x128xf32, #tpu.memory_space<vmem>> -> memref<64x128xf32, #tpu.memory_space<vmem>>
        %gather3A_364 = tpu.vector_load_idx %gather3A_363[%add3A_350, %gather3A_346] : memref<64x128xf32, #tpu.memory_space<vmem>>[vector<16xi32>, vector<16xi32>], vector<16xf32>,
        %mul3A_365 = arith.mulf %gather3A_357, %gather3A_364 : vector<16xf32>
        %iota3A_366 = tpu.iota {dimensions = array<i32: 0>} : vector<16xi32>
        %add3A_367 = arith.constant 16 : i32
        %add3A_368 = vector.broadcast %add3A_367 : i32 to vector<16xi32>
        %add3A_369 = arith.addi %add3A_368, %iota3A_366 : vector<16xi32>
        %gather3A_370 = arith.constant 3 : i32
        %gather3A_371 = arith.constant 0 : i32
        %gather3A_372 = arith.constant 0 : i32
        %gather3A_373 = arith.constant 0 : i32
        %gather3A_374 = tpu.memref_slice %arg11[%gather3A_370, %gather3A_371, %gather3A_372, %gather3A_373] : memref<7x1x64x128xf32, #tpu.memory_space<vmem>> -> memref<1x1x64x128xf32, #tpu.memory_space<vmem>>
        %gather3A_375 = tpu.memref_squeeze %gather3A_374 : memref<1x1x64x128xf32, #tpu.memory_space<vmem>> -> memref<64x128xf32, #tpu.memory_space<vmem>>
        %gather3A_376 = tpu.vector_load_idx %gather3A_375[%add3A_369, %gather3A_344] : memref<64x128xf32, #tpu.memory_space<vmem>>[vector<16xi32>, vector<16xi32>], vector<16xf32>,
        %gather3A_377 = arith.constant 3 : i32
        %gather3A_378 = arith.constant 0 : i32
        %gather3A_379 = arith.constant 0 : i32
        %gather3A_380 = arith.constant 0 : i32
        %gather3A_381 = tpu.memref_slice %arg12[%gather3A_377, %gather3A_378, %gather3A_379, %gather3A_380] : memref<7x1x64x128xf32, #tpu.memory_space<vmem>> -> memref<1x1x64x128xf32, #tpu.memory_space<vmem>>
        %gather3A_382 = tpu.memref_squeeze %gather3A_381 : memref<1x1x64x128xf32, #tpu.memory_space<vmem>> -> memref<64x128xf32, #tpu.memory_space<vmem>>
        %gather3A_383 = tpu.vector_load_idx %gather3A_382[%add3A_369, %gather3A_346] : memref<64x128xf32, #tpu.memory_space<vmem>>[vector<16xi32>, vector<16xi32>], vector<16xf32>,
        %mul3A_384 = arith.mulf %gather3A_376, %gather3A_383 : vector<16xf32>
        %add3A_385 = arith.addf %mul3A_365, %mul3A_384 : vector<16xf32>
        %iota3A_386 = tpu.iota {dimensions = array<i32: 0>} : vector<16xi32>
        %add3A_387 = arith.constant 32 : i32
        %add3A_388 = vector.broadcast %add3A_387 : i32 to vector<16xi32>
        %add3A_389 = arith.addi %add3A_388, %iota3A_386 : vector<16xi32>
        %gather3A_390 = arith.constant 3 : i32
        %gather3A_391 = arith.constant 0 : i32
        %gather3A_392 = arith.constant 0 : i32
        %gather3A_393 = arith.constant 0 : i32
        %gather3A_394 = tpu.memref_slice %arg11[%gather3A_390, %gather3A_391, %gather3A_392, %gather3A_393] : memref<7x1x64x128xf32, #tpu.memory_space<vmem>> -> memref<1x1x64x128xf32, #tpu.memory_space<vmem>>
        %gather3A_395 = tpu.memref_squeeze %gather3A_394 : memref<1x1x64x128xf32, #tpu.memory_space<vmem>> -> memref<64x128xf32, #tpu.memory_space<vmem>>
        %gather3A_396 = tpu.vector_load_idx %gather3A_395[%add3A_389, %gather3A_344] : memref<64x128xf32, #tpu.memory_space<vmem>>[vector<16xi32>, vector<16xi32>], vector<16xf32>,
        %gather3A_397 = arith.constant 3 : i32
        %gather3A_398 = arith.constant 0 : i32
        %gather3A_399 = arith.constant 0 : i32
        %gather3A_400 = arith.constant 0 : i32
        %gather3A_401 = tpu.memref_slice %arg12[%gather3A_397, %gather3A_398, %gather3A_399, %gather3A_400] : memref<7x1x64x128xf32, #tpu.memory_space<vmem>> -> memref<1x1x64x128xf32, #tpu.memory_space<vmem>>
        %gather3A_402 = tpu.memref_squeeze %gather3A_401 : memref<1x1x64x128xf32, #tpu.memory_space<vmem>> -> memref<64x128xf32, #tpu.memory_space<vmem>>
        %gather3A_403 = tpu.vector_load_idx %gather3A_402[%add3A_389, %gather3A_346] : memref<64x128xf32, #tpu.memory_space<vmem>>[vector<16xi32>, vector<16xi32>], vector<16xf32>,
        %mul3A_404 = arith.mulf %gather3A_396, %gather3A_403 : vector<16xf32>
        %add3A_405 = arith.addf %add3A_385, %mul3A_404 : vector<16xf32>
        %iota3A_406 = tpu.iota {dimensions = array<i32: 0>} : vector<16xi32>
        %add3A_407 = arith.constant 48 : i32
        %add3A_408 = vector.broadcast %add3A_407 : i32 to vector<16xi32>
        %add3A_409 = arith.addi %add3A_408, %iota3A_406 : vector<16xi32>
        %gather3A_410 = arith.constant 3 : i32
        %gather3A_411 = arith.constant 0 : i32
        %gather3A_412 = arith.constant 0 : i32
        %gather3A_413 = arith.constant 0 : i32
        %gather3A_414 = tpu.memref_slice %arg11[%gather3A_410, %gather3A_411, %gather3A_412, %gather3A_413] : memref<7x1x64x128xf32, #tpu.memory_space<vmem>> -> memref<1x1x64x128xf32, #tpu.memory_space<vmem>>
        %gather3A_415 = tpu.memref_squeeze %gather3A_414 : memref<1x1x64x128xf32, #tpu.memory_space<vmem>> -> memref<64x128xf32, #tpu.memory_space<vmem>>
        %gather3A_416 = tpu.vector_load_idx %gather3A_415[%add3A_409, %gather3A_344] : memref<64x128xf32, #tpu.memory_space<vmem>>[vector<16xi32>, vector<16xi32>], vector<16xf32>,
        %gather3A_417 = arith.constant 3 : i32
        %gather3A_418 = arith.constant 0 : i32
        %gather3A_419 = arith.constant 0 : i32
        %gather3A_420 = arith.constant 0 : i32
        %gather3A_421 = tpu.memref_slice %arg12[%gather3A_417, %gather3A_418, %gather3A_419, %gather3A_420] : memref<7x1x64x128xf32, #tpu.memory_space<vmem>> -> memref<1x1x64x128xf32, #tpu.memory_space<vmem>>
        %gather3A_422 = tpu.memref_squeeze %gather3A_421 : memref<1x1x64x128xf32, #tpu.memory_space<vmem>> -> memref<64x128xf32, #tpu.memory_space<vmem>>
        %gather3A_423 = tpu.vector_load_idx %gather3A_422[%add3A_409, %gather3A_346] : memref<64x128xf32, #tpu.memory_space<vmem>>[vector<16xi32>, vector<16xi32>], vector<16xf32>,
        %mul3A_424 = arith.mulf %gather3A_416, %gather3A_423 : vector<16xf32>
        %add3A_425 = arith.addf %add3A_405, %mul3A_424 : vector<16xf32>
        %reduce_sum3A = arith.constant true
        %reduce_sum3A_426 = vector.broadcast %reduce_sum3A : i1 to vector<16xi1>
        %reduce_sum3A_427 = tpu.scan <sum>, %add3A_425 masked %reduce_sum3A_426 : vector<16xf32>, vector<16xi1> -> vector<16xf32>
        %reduce_sum3A_428 = vector.extract %reduce_sum3A_427[15] : f32 from vector<16xf32>
        %broadcast_in_dim3A_429 = vector.broadcast %reduce_sum3A_428 : f32 to vector<16xf32>
        %broadcast_in_dim3A_430 = vector.broadcast %add3A_342 : i32 to vector<16xi32>
        tpu.vector_store_idx %arg13[%broadcast_in_dim3A_430], %broadcast_in_dim3A_429 masked %eq3A_338 : memref<512xf32, #tpu.memory_space<vmem>>[vector<16xi32>], vector<16xf32>, vector<16xi1>
      } else {
      }
      %add3A_264 = arith.constant 4 : i32
      %add3A_265 = arith.addi %mul3A_210, %add3A_264 : i32
      %add3A_266 = arith.constant 5 : i32
      %add3A_267 = arith.addi %add3A_265, %add3A_266 : i32
      %lt3A_268 = arith.constant 512 : i32
      %lt3A_269 = arith.cmpi slt, %add3A_267, %lt3A_268 : i32
      %convert_element_type3A_270 = arith.extui %lt3A_269 : i1 to i32
      %cond3A_271 = arith.constant 0 : i32
      %cond3A_272 = arith.cmpi ne, %convert_element_type3A_270, %cond3A_271 : i32
      scf.if %cond3A_272 {
        %add3A_306 = arith.constant 5 : i32
        %add3A_307 = arith.addi %add3A_265, %add3A_306 : i32
        %mul3A_308 = arith.constant 1 : i32
        %mul3A_309 = arith.muli %add3A_307, %mul3A_308 : i32
        %add3A_310 = arith.constant 0 : i32
        %add3A_311 = arith.addi %mul3A_309, %add3A_310 : i32
        %broadcast_in_dim3A_312 = vector.broadcast %add3A_311 : i32 to vector<16xi32>
        %gather3A_313 = tpu.vector_load_idx %arg7[%broadcast_in_dim3A_312] : memref<512xi32, #tpu.memory_space<vmem>>[vector<16xi32>], vector<16xi32>,
        %slice3A_314 = vector.extract_strided_slice %gather3A_313 {offsets = [0], sizes = [1], strides = [1]} : vector<16xi32> to vector<1xi32>
        %squeeze3A_315 = vector.extract %slice3A_314[0] : i32 from vector<1xi32>
        %broadcast_in_dim3A_316 = vector.broadcast %add3A_311 : i32 to vector<16xi32>
        %gather3A_317 = tpu.vector_load_idx %arg8[%broadcast_in_dim3A_316] : memref<512xi32, #tpu.memory_space<vmem>>[vector<16xi32>], vector<16xi32>,
        %slice3A_318 = vector.extract_strided_slice %gather3A_317 {offsets = [0], sizes = [1], strides = [1]} : vector<16xi32> to vector<1xi32>
        %squeeze3A_319 = vector.extract %slice3A_318[0] : i32 from vector<1xi32>
        %multiple_of3A_320 = tpu.assume_multiple %squeeze3A_315, 128 : i32
        %dma_start3A_321 = arith.constant 2 : i32
        %dma_start3A_322 = arith.constant 0 : i32
        %dma_start3A_323 = arith.constant 0 : i32
        %dma_start3A_324 = arith.constant 0 : i32
        %dma_start3A_325 = tpu.memref_slice %arg11[%dma_start3A_321, %dma_start3A_322, %dma_start3A_323, %dma_start3A_324] : memref<7x1x64x128xf32, #tpu.memory_space<vmem>> -> memref<1x1x64x128xf32, #tpu.memory_space<vmem>>
        %dma_start3A_326 = tpu.memref_squeeze %dma_start3A_325 : memref<1x1x64x128xf32, #tpu.memory_space<vmem>> -> memref<64x128xf32, #tpu.memory_space<vmem>>
        %dma_start3A_327 = arith.constant 0 : i32
        %dma_start3A_328 = tpu.memref_slice %arg4[%dma_start3A_327, %multiple_of3A_320] : memref<64x1000000xf32, #tpu.memory_space<hbm>> -> memref<64x128xf32, #tpu.memory_space<hbm>>
        %dma_start3A_329 = arith.constant 0 : i32
        %dma_start3A_330 = arith.constant 0 : i32
        %dma_start3A_331 = tpu.memref_slice %arg11[%dma_start3A_321, %dma_start3A_322, %dma_start3A_329, %dma_start3A_330] : memref<7x1x64x128xf32, #tpu.memory_space<vmem>> -> memref<1x1x64x128xf32, #tpu.memory_space<vmem>>
        %dma_start3A_332 = tpu.memref_squeeze %dma_start3A_331 : memref<1x1x64x128xf32, #tpu.memory_space<vmem>> -> memref<64x128xf32, #tpu.memory_space<vmem>>
        %dma_start3A_333 = arith.constant 0 : i32
        %dma_start3A_334 = tpu.memref_slice %arg4[%dma_start3A_333, %multiple_of3A_320] : memref<64x1000000xf32, #tpu.memory_space<hbm>> -> memref<64x128xf32, #tpu.memory_space<hbm>>
        tpu.enqueue_dma source(%dma_start3A_334 : memref<64x128xf32, #tpu.memory_space<hbm>>) target(%dma_start3A_332 : memref<64x128xf32, #tpu.memory_space<vmem>>) target_semaphore(%arg16 : memref<!tpu.dma_semaphore, #tpu.memory_space<semaphore_mem>>)
        %multiple_of3A_335 = tpu.assume_multiple %squeeze3A_319, 128 : i32
        %dma_start3A_336 = arith.constant 2 : i32
        %dma_start3A_337 = arith.constant 0 : i32
        %dma_start3A_338 = arith.constant 0 : i32
        %dma_start3A_339 = arith.constant 0 : i32
        %dma_start3A_340 = tpu.memref_slice %arg12[%dma_start3A_336, %dma_start3A_337, %dma_start3A_338, %dma_start3A_339] : memref<7x1x64x128xf32, #tpu.memory_space<vmem>> -> memref<1x1x64x128xf32, #tpu.memory_space<vmem>>
        %dma_start3A_341 = tpu.memref_squeeze %dma_start3A_340 : memref<1x1x64x128xf32, #tpu.memory_space<vmem>> -> memref<64x128xf32, #tpu.memory_space<vmem>>
        %dma_start3A_342 = arith.constant 0 : i32
        %dma_start3A_343 = tpu.memref_slice %arg5[%dma_start3A_342, %multiple_of3A_335] : memref<64x1000000xf32, #tpu.memory_space<hbm>> -> memref<64x128xf32, #tpu.memory_space<hbm>>
        %dma_start3A_344 = arith.constant 0 : i32
        %dma_start3A_345 = arith.constant 0 : i32
        %dma_start3A_346 = tpu.memref_slice %arg12[%dma_start3A_336, %dma_start3A_337, %dma_start3A_344, %dma_start3A_345] : memref<7x1x64x128xf32, #tpu.memory_space<vmem>> -> memref<1x1x64x128xf32, #tpu.memory_space<vmem>>
        %dma_start3A_347 = tpu.memref_squeeze %dma_start3A_346 : memref<1x1x64x128xf32, #tpu.memory_space<vmem>> -> memref<64x128xf32, #tpu.memory_space<vmem>>
        %dma_start3A_348 = arith.constant 0 : i32
        %dma_start3A_349 = tpu.memref_slice %arg5[%dma_start3A_348, %multiple_of3A_335] : memref<64x1000000xf32, #tpu.memory_space<hbm>> -> memref<64x128xf32, #tpu.memory_space<hbm>>
        tpu.enqueue_dma source(%dma_start3A_349 : memref<64x128xf32, #tpu.memory_space<hbm>>) target(%dma_start3A_347 : memref<64x128xf32, #tpu.memory_space<vmem>>) target_semaphore(%arg16 : memref<!tpu.dma_semaphore, #tpu.memory_space<semaphore_mem>>)
      } else {
      }
      %lt3A_273 = arith.constant 512 : i32
      %lt3A_274 = arith.cmpi slt, %add3A_265, %lt3A_273 : i32
      %convert_element_type3A_275 = arith.extui %lt3A_274 : i1 to i32
      %cond3A_276 = arith.constant 0 : i32
      %cond3A_277 = arith.cmpi ne, %convert_element_type3A_275, %cond3A_276 : i32
      scf.if %cond3A_277 {
        %dma_wait3A = arith.constant 4 : i32
        %dma_wait3A_306 = arith.constant 0 : i32
        %dma_wait3A_307 = arith.constant 0 : i32
        %dma_wait3A_308 = arith.constant 0 : i32
        %dma_wait3A_309 = tpu.memref_slice %arg11[%dma_wait3A, %dma_wait3A_306, %dma_wait3A_307, %dma_wait3A_308] : memref<7x1x64x128xf32, #tpu.memory_space<vmem>> -> memref<1x1x64x128xf32, #tpu.memory_space<vmem>>
        %dma_wait3A_310 = tpu.memref_squeeze %dma_wait3A_309 : memref<1x1x64x128xf32, #tpu.memory_space<vmem>> -> memref<64x128xf32, #tpu.memory_space<vmem>>
        %dma_wait3A_311 = arith.constant 0 : i32
        %dma_wait3A_312 = arith.constant 0 : i32
        %dma_wait3A_313 = tpu.memref_slice %arg4[%dma_wait3A_311, %dma_wait3A_312] : memref<64x1000000xf32, #tpu.memory_space<hbm>> -> memref<64x128xf32, #tpu.memory_space<hbm>>
        %dma_wait3A_314 = arith.constant 0 : i32
        %dma_wait3A_315 = arith.constant 0 : i32
        %dma_wait3A_316 = tpu.memref_slice %arg11[%dma_wait3A, %dma_wait3A_306, %dma_wait3A_314, %dma_wait3A_315] : memref<7x1x64x128xf32, #tpu.memory_space<vmem>> -> memref<1x1x64x128xf32, #tpu.memory_space<vmem>>
        %dma_wait3A_317 = tpu.memref_squeeze %dma_wait3A_316 : memref<1x1x64x128xf32, #tpu.memory_space<vmem>> -> memref<64x128xf32, #tpu.memory_space<vmem>>
        %dma_wait3A_318 = arith.constant 0 : i32
        %dma_wait3A_319 = arith.constant 0 : i32
        %dma_wait3A_320 = tpu.memref_slice %arg4[%dma_wait3A_318, %dma_wait3A_319] : memref<64x1000000xf32, #tpu.memory_space<hbm>> -> memref<64x128xf32, #tpu.memory_space<hbm>>
        tpu.wait_dma2 semaphore(%arg18 : memref<!tpu.dma_semaphore, #tpu.memory_space<semaphore_mem>>) src(%dma_wait3A_320 : memref<64x128xf32, #tpu.memory_space<hbm>>) dst(%dma_wait3A_317 : memref<64x128xf32, #tpu.memory_space<vmem>>)
        %dma_wait3A_321 = arith.constant 4 : i32
        %dma_wait3A_322 = arith.constant 0 : i32
        %dma_wait3A_323 = arith.constant 0 : i32
        %dma_wait3A_324 = arith.constant 0 : i32
        %dma_wait3A_325 = tpu.memref_slice %arg12[%dma_wait3A_321, %dma_wait3A_322, %dma_wait3A_323, %dma_wait3A_324] : memref<7x1x64x128xf32, #tpu.memory_space<vmem>> -> memref<1x1x64x128xf32, #tpu.memory_space<vmem>>
        %dma_wait3A_326 = tpu.memref_squeeze %dma_wait3A_325 : memref<1x1x64x128xf32, #tpu.memory_space<vmem>> -> memref<64x128xf32, #tpu.memory_space<vmem>>
        %dma_wait3A_327 = arith.constant 0 : i32
        %dma_wait3A_328 = arith.constant 0 : i32
        %dma_wait3A_329 = tpu.memref_slice %arg5[%dma_wait3A_327, %dma_wait3A_328] : memref<64x1000000xf32, #tpu.memory_space<hbm>> -> memref<64x128xf32, #tpu.memory_space<hbm>>
        %dma_wait3A_330 = arith.constant 0 : i32
        %dma_wait3A_331 = arith.constant 0 : i32
        %dma_wait3A_332 = tpu.memref_slice %arg12[%dma_wait3A_321, %dma_wait3A_322, %dma_wait3A_330, %dma_wait3A_331] : memref<7x1x64x128xf32, #tpu.memory_space<vmem>> -> memref<1x1x64x128xf32, #tpu.memory_space<vmem>>
        %dma_wait3A_333 = tpu.memref_squeeze %dma_wait3A_332 : memref<1x1x64x128xf32, #tpu.memory_space<vmem>> -> memref<64x128xf32, #tpu.memory_space<vmem>>
        %dma_wait3A_334 = arith.constant 0 : i32
        %dma_wait3A_335 = arith.constant 0 : i32
        %dma_wait3A_336 = tpu.memref_slice %arg5[%dma_wait3A_334, %dma_wait3A_335] : memref<64x1000000xf32, #tpu.memory_space<hbm>> -> memref<64x128xf32, #tpu.memory_space<hbm>>
        tpu.wait_dma2 semaphore(%arg18 : memref<!tpu.dma_semaphore, #tpu.memory_space<semaphore_mem>>) src(%dma_wait3A_336 : memref<64x128xf32, #tpu.memory_space<hbm>>) dst(%dma_wait3A_333 : memref<64x128xf32, #tpu.memory_space<vmem>>)
        %iota3A = tpu.iota {dimensions = array<i32: 0>} : vector<16xi32>
        %eq3A = arith.constant 0 : i32
        %eq3A_337 = vector.broadcast %eq3A : i32 to vector<16xi32>
        %eq3A_338 = arith.cmpi eq, %iota3A, %eq3A_337 : vector<16xi32>
        %mul3A_339 = arith.constant 1 : i32
        %mul3A_340 = arith.muli %add3A_265, %mul3A_339 : i32
        %add3A_341 = arith.constant 0 : i32
        %add3A_342 = arith.addi %mul3A_340, %add3A_341 : i32
        %broadcast_in_dim3A_343 = vector.broadcast %add3A_342 : i32 to vector<16xi32>
        %gather3A_344 = tpu.vector_load_idx %arg9[%broadcast_in_dim3A_343] : memref<512xi32, #tpu.memory_space<vmem>>[vector<16xi32>], vector<16xi32>,
        %broadcast_in_dim3A_345 = vector.broadcast %add3A_342 : i32 to vector<16xi32>
        %gather3A_346 = tpu.vector_load_idx %arg10[%broadcast_in_dim3A_345] : memref<512xi32, #tpu.memory_space<vmem>>[vector<16xi32>], vector<16xi32>,
        %iota3A_347 = tpu.iota {dimensions = array<i32: 0>} : vector<16xi32>
        %add3A_348 = arith.constant 0 : i32
        %add3A_349 = vector.broadcast %add3A_348 : i32 to vector<16xi32>
        %add3A_350 = arith.addi %add3A_349, %iota3A_347 : vector<16xi32>
        %gather3A_351 = arith.constant 4 : i32
        %gather3A_352 = arith.constant 0 : i32
        %gather3A_353 = arith.constant 0 : i32
        %gather3A_354 = arith.constant 0 : i32
        %gather3A_355 = tpu.memref_slice %arg11[%gather3A_351, %gather3A_352, %gather3A_353, %gather3A_354] : memref<7x1x64x128xf32, #tpu.memory_space<vmem>> -> memref<1x1x64x128xf32, #tpu.memory_space<vmem>>
        %gather3A_356 = tpu.memref_squeeze %gather3A_355 : memref<1x1x64x128xf32, #tpu.memory_space<vmem>> -> memref<64x128xf32, #tpu.memory_space<vmem>>
        %gather3A_357 = tpu.vector_load_idx %gather3A_356[%add3A_350, %gather3A_344] : memref<64x128xf32, #tpu.memory_space<vmem>>[vector<16xi32>, vector<16xi32>], vector<16xf32>,
        %gather3A_358 = arith.constant 4 : i32
        %gather3A_359 = arith.constant 0 : i32
        %gather3A_360 = arith.constant 0 : i32
        %gather3A_361 = arith.constant 0 : i32
        %gather3A_362 = tpu.memref_slice %arg12[%gather3A_358, %gather3A_359, %gather3A_360, %gather3A_361] : memref<7x1x64x128xf32, #tpu.memory_space<vmem>> -> memref<1x1x64x128xf32, #tpu.memory_space<vmem>>
        %gather3A_363 = tpu.memref_squeeze %gather3A_362 : memref<1x1x64x128xf32, #tpu.memory_space<vmem>> -> memref<64x128xf32, #tpu.memory_space<vmem>>
        %gather3A_364 = tpu.vector_load_idx %gather3A_363[%add3A_350, %gather3A_346] : memref<64x128xf32, #tpu.memory_space<vmem>>[vector<16xi32>, vector<16xi32>], vector<16xf32>,
        %mul3A_365 = arith.mulf %gather3A_357, %gather3A_364 : vector<16xf32>
        %iota3A_366 = tpu.iota {dimensions = array<i32: 0>} : vector<16xi32>
        %add3A_367 = arith.constant 16 : i32
        %add3A_368 = vector.broadcast %add3A_367 : i32 to vector<16xi32>
        %add3A_369 = arith.addi %add3A_368, %iota3A_366 : vector<16xi32>
        %gather3A_370 = arith.constant 4 : i32
        %gather3A_371 = arith.constant 0 : i32
        %gather3A_372 = arith.constant 0 : i32
        %gather3A_373 = arith.constant 0 : i32
        %gather3A_374 = tpu.memref_slice %arg11[%gather3A_370, %gather3A_371, %gather3A_372, %gather3A_373] : memref<7x1x64x128xf32, #tpu.memory_space<vmem>> -> memref<1x1x64x128xf32, #tpu.memory_space<vmem>>
        %gather3A_375 = tpu.memref_squeeze %gather3A_374 : memref<1x1x64x128xf32, #tpu.memory_space<vmem>> -> memref<64x128xf32, #tpu.memory_space<vmem>>
        %gather3A_376 = tpu.vector_load_idx %gather3A_375[%add3A_369, %gather3A_344] : memref<64x128xf32, #tpu.memory_space<vmem>>[vector<16xi32>, vector<16xi32>], vector<16xf32>,
        %gather3A_377 = arith.constant 4 : i32
        %gather3A_378 = arith.constant 0 : i32
        %gather3A_379 = arith.constant 0 : i32
        %gather3A_380 = arith.constant 0 : i32
        %gather3A_381 = tpu.memref_slice %arg12[%gather3A_377, %gather3A_378, %gather3A_379, %gather3A_380] : memref<7x1x64x128xf32, #tpu.memory_space<vmem>> -> memref<1x1x64x128xf32, #tpu.memory_space<vmem>>
        %gather3A_382 = tpu.memref_squeeze %gather3A_381 : memref<1x1x64x128xf32, #tpu.memory_space<vmem>> -> memref<64x128xf32, #tpu.memory_space<vmem>>
        %gather3A_383 = tpu.vector_load_idx %gather3A_382[%add3A_369, %gather3A_346] : memref<64x128xf32, #tpu.memory_space<vmem>>[vector<16xi32>, vector<16xi32>], vector<16xf32>,
        %mul3A_384 = arith.mulf %gather3A_376, %gather3A_383 : vector<16xf32>
        %add3A_385 = arith.addf %mul3A_365, %mul3A_384 : vector<16xf32>
        %iota3A_386 = tpu.iota {dimensions = array<i32: 0>} : vector<16xi32>
        %add3A_387 = arith.constant 32 : i32
        %add3A_388 = vector.broadcast %add3A_387 : i32 to vector<16xi32>
        %add3A_389 = arith.addi %add3A_388, %iota3A_386 : vector<16xi32>
        %gather3A_390 = arith.constant 4 : i32
        %gather3A_391 = arith.constant 0 : i32
        %gather3A_392 = arith.constant 0 : i32
        %gather3A_393 = arith.constant 0 : i32
        %gather3A_394 = tpu.memref_slice %arg11[%gather3A_390, %gather3A_391, %gather3A_392, %gather3A_393] : memref<7x1x64x128xf32, #tpu.memory_space<vmem>> -> memref<1x1x64x128xf32, #tpu.memory_space<vmem>>
        %gather3A_395 = tpu.memref_squeeze %gather3A_394 : memref<1x1x64x128xf32, #tpu.memory_space<vmem>> -> memref<64x128xf32, #tpu.memory_space<vmem>>
        %gather3A_396 = tpu.vector_load_idx %gather3A_395[%add3A_389, %gather3A_344] : memref<64x128xf32, #tpu.memory_space<vmem>>[vector<16xi32>, vector<16xi32>], vector<16xf32>,
        %gather3A_397 = arith.constant 4 : i32
        %gather3A_398 = arith.constant 0 : i32
        %gather3A_399 = arith.constant 0 : i32
        %gather3A_400 = arith.constant 0 : i32
        %gather3A_401 = tpu.memref_slice %arg12[%gather3A_397, %gather3A_398, %gather3A_399, %gather3A_400] : memref<7x1x64x128xf32, #tpu.memory_space<vmem>> -> memref<1x1x64x128xf32, #tpu.memory_space<vmem>>
        %gather3A_402 = tpu.memref_squeeze %gather3A_401 : memref<1x1x64x128xf32, #tpu.memory_space<vmem>> -> memref<64x128xf32, #tpu.memory_space<vmem>>
        %gather3A_403 = tpu.vector_load_idx %gather3A_402[%add3A_389, %gather3A_346] : memref<64x128xf32, #tpu.memory_space<vmem>>[vector<16xi32>, vector<16xi32>], vector<16xf32>,
        %mul3A_404 = arith.mulf %gather3A_396, %gather3A_403 : vector<16xf32>
        %add3A_405 = arith.addf %add3A_385, %mul3A_404 : vector<16xf32>
        %iota3A_406 = tpu.iota {dimensions = array<i32: 0>} : vector<16xi32>
        %add3A_407 = arith.constant 48 : i32
        %add3A_408 = vector.broadcast %add3A_407 : i32 to vector<16xi32>
        %add3A_409 = arith.addi %add3A_408, %iota3A_406 : vector<16xi32>
        %gather3A_410 = arith.constant 4 : i32
        %gather3A_411 = arith.constant 0 : i32
        %gather3A_412 = arith.constant 0 : i32
        %gather3A_413 = arith.constant 0 : i32
        %gather3A_414 = tpu.memref_slice %arg11[%gather3A_410, %gather3A_411, %gather3A_412, %gather3A_413] : memref<7x1x64x128xf32, #tpu.memory_space<vmem>> -> memref<1x1x64x128xf32, #tpu.memory_space<vmem>>
        %gather3A_415 = tpu.memref_squeeze %gather3A_414 : memref<1x1x64x128xf32, #tpu.memory_space<vmem>> -> memref<64x128xf32, #tpu.memory_space<vmem>>
        %gather3A_416 = tpu.vector_load_idx %gather3A_415[%add3A_409, %gather3A_344] : memref<64x128xf32, #tpu.memory_space<vmem>>[vector<16xi32>, vector<16xi32>], vector<16xf32>,
        %gather3A_417 = arith.constant 4 : i32
        %gather3A_418 = arith.constant 0 : i32
        %gather3A_419 = arith.constant 0 : i32
        %gather3A_420 = arith.constant 0 : i32
        %gather3A_421 = tpu.memref_slice %arg12[%gather3A_417, %gather3A_418, %gather3A_419, %gather3A_420] : memref<7x1x64x128xf32, #tpu.memory_space<vmem>> -> memref<1x1x64x128xf32, #tpu.memory_space<vmem>>
        %gather3A_422 = tpu.memref_squeeze %gather3A_421 : memref<1x1x64x128xf32, #tpu.memory_space<vmem>> -> memref<64x128xf32, #tpu.memory_space<vmem>>
        %gather3A_423 = tpu.vector_load_idx %gather3A_422[%add3A_409, %gather3A_346] : memref<64x128xf32, #tpu.memory_space<vmem>>[vector<16xi32>, vector<16xi32>], vector<16xf32>,
        %mul3A_424 = arith.mulf %gather3A_416, %gather3A_423 : vector<16xf32>
        %add3A_425 = arith.addf %add3A_405, %mul3A_424 : vector<16xf32>
        %reduce_sum3A = arith.constant true
        %reduce_sum3A_426 = vector.broadcast %reduce_sum3A : i1 to vector<16xi1>
        %reduce_sum3A_427 = tpu.scan <sum>, %add3A_425 masked %reduce_sum3A_426 : vector<16xf32>, vector<16xi1> -> vector<16xf32>
        %reduce_sum3A_428 = vector.extract %reduce_sum3A_427[15] : f32 from vector<16xf32>
        %broadcast_in_dim3A_429 = vector.broadcast %reduce_sum3A_428 : f32 to vector<16xf32>
        %broadcast_in_dim3A_430 = vector.broadcast %add3A_342 : i32 to vector<16xi32>
        tpu.vector_store_idx %arg13[%broadcast_in_dim3A_430], %broadcast_in_dim3A_429 masked %eq3A_338 : memref<512xf32, #tpu.memory_space<vmem>>[vector<16xi32>], vector<16xf32>, vector<16xi1>
      } else {
      }
      %add3A_278 = arith.constant 5 : i32
      %add3A_279 = arith.addi %mul3A_210, %add3A_278 : i32
      %add3A_280 = arith.constant 5 : i32
      %add3A_281 = arith.addi %add3A_279, %add3A_280 : i32
      %lt3A_282 = arith.constant 512 : i32
      %lt3A_283 = arith.cmpi slt, %add3A_281, %lt3A_282 : i32
      %convert_element_type3A_284 = arith.extui %lt3A_283 : i1 to i32
      %cond3A_285 = arith.constant 0 : i32
      %cond3A_286 = arith.cmpi ne, %convert_element_type3A_284, %cond3A_285 : i32
      scf.if %cond3A_286 {
        %add3A_306 = arith.constant 5 : i32
        %add3A_307 = arith.addi %add3A_279, %add3A_306 : i32
        %mul3A_308 = arith.constant 1 : i32
        %mul3A_309 = arith.muli %add3A_307, %mul3A_308 : i32
        %add3A_310 = arith.constant 0 : i32
        %add3A_311 = arith.addi %mul3A_309, %add3A_310 : i32
        %broadcast_in_dim3A_312 = vector.broadcast %add3A_311 : i32 to vector<16xi32>
        %gather3A_313 = tpu.vector_load_idx %arg7[%broadcast_in_dim3A_312] : memref<512xi32, #tpu.memory_space<vmem>>[vector<16xi32>], vector<16xi32>,
        %slice3A_314 = vector.extract_strided_slice %gather3A_313 {offsets = [0], sizes = [1], strides = [1]} : vector<16xi32> to vector<1xi32>
        %squeeze3A_315 = vector.extract %slice3A_314[0] : i32 from vector<1xi32>
        %broadcast_in_dim3A_316 = vector.broadcast %add3A_311 : i32 to vector<16xi32>
        %gather3A_317 = tpu.vector_load_idx %arg8[%broadcast_in_dim3A_316] : memref<512xi32, #tpu.memory_space<vmem>>[vector<16xi32>], vector<16xi32>,
        %slice3A_318 = vector.extract_strided_slice %gather3A_317 {offsets = [0], sizes = [1], strides = [1]} : vector<16xi32> to vector<1xi32>
        %squeeze3A_319 = vector.extract %slice3A_318[0] : i32 from vector<1xi32>
        %multiple_of3A_320 = tpu.assume_multiple %squeeze3A_315, 128 : i32
        %dma_start3A_321 = arith.constant 3 : i32
        %dma_start3A_322 = arith.constant 0 : i32
        %dma_start3A_323 = arith.constant 0 : i32
        %dma_start3A_324 = arith.constant 0 : i32
        %dma_start3A_325 = tpu.memref_slice %arg11[%dma_start3A_321, %dma_start3A_322, %dma_start3A_323, %dma_start3A_324] : memref<7x1x64x128xf32, #tpu.memory_space<vmem>> -> memref<1x1x64x128xf32, #tpu.memory_space<vmem>>
        %dma_start3A_326 = tpu.memref_squeeze %dma_start3A_325 : memref<1x1x64x128xf32, #tpu.memory_space<vmem>> -> memref<64x128xf32, #tpu.memory_space<vmem>>
        %dma_start3A_327 = arith.constant 0 : i32
        %dma_start3A_328 = tpu.memref_slice %arg4[%dma_start3A_327, %multiple_of3A_320] : memref<64x1000000xf32, #tpu.memory_space<hbm>> -> memref<64x128xf32, #tpu.memory_space<hbm>>
        %dma_start3A_329 = arith.constant 0 : i32
        %dma_start3A_330 = arith.constant 0 : i32
        %dma_start3A_331 = tpu.memref_slice %arg11[%dma_start3A_321, %dma_start3A_322, %dma_start3A_329, %dma_start3A_330] : memref<7x1x64x128xf32, #tpu.memory_space<vmem>> -> memref<1x1x64x128xf32, #tpu.memory_space<vmem>>
        %dma_start3A_332 = tpu.memref_squeeze %dma_start3A_331 : memref<1x1x64x128xf32, #tpu.memory_space<vmem>> -> memref<64x128xf32, #tpu.memory_space<vmem>>
        %dma_start3A_333 = arith.constant 0 : i32
        %dma_start3A_334 = tpu.memref_slice %arg4[%dma_start3A_333, %multiple_of3A_320] : memref<64x1000000xf32, #tpu.memory_space<hbm>> -> memref<64x128xf32, #tpu.memory_space<hbm>>
        tpu.enqueue_dma source(%dma_start3A_334 : memref<64x128xf32, #tpu.memory_space<hbm>>) target(%dma_start3A_332 : memref<64x128xf32, #tpu.memory_space<vmem>>) target_semaphore(%arg17 : memref<!tpu.dma_semaphore, #tpu.memory_space<semaphore_mem>>)
        %multiple_of3A_335 = tpu.assume_multiple %squeeze3A_319, 128 : i32
        %dma_start3A_336 = arith.constant 3 : i32
        %dma_start3A_337 = arith.constant 0 : i32
        %dma_start3A_338 = arith.constant 0 : i32
        %dma_start3A_339 = arith.constant 0 : i32
        %dma_start3A_340 = tpu.memref_slice %arg12[%dma_start3A_336, %dma_start3A_337, %dma_start3A_338, %dma_start3A_339] : memref<7x1x64x128xf32, #tpu.memory_space<vmem>> -> memref<1x1x64x128xf32, #tpu.memory_space<vmem>>
        %dma_start3A_341 = tpu.memref_squeeze %dma_start3A_340 : memref<1x1x64x128xf32, #tpu.memory_space<vmem>> -> memref<64x128xf32, #tpu.memory_space<vmem>>
        %dma_start3A_342 = arith.constant 0 : i32
        %dma_start3A_343 = tpu.memref_slice %arg5[%dma_start3A_342, %multiple_of3A_335] : memref<64x1000000xf32, #tpu.memory_space<hbm>> -> memref<64x128xf32, #tpu.memory_space<hbm>>
        %dma_start3A_344 = arith.constant 0 : i32
        %dma_start3A_345 = arith.constant 0 : i32
        %dma_start3A_346 = tpu.memref_slice %arg12[%dma_start3A_336, %dma_start3A_337, %dma_start3A_344, %dma_start3A_345] : memref<7x1x64x128xf32, #tpu.memory_space<vmem>> -> memref<1x1x64x128xf32, #tpu.memory_space<vmem>>
        %dma_start3A_347 = tpu.memref_squeeze %dma_start3A_346 : memref<1x1x64x128xf32, #tpu.memory_space<vmem>> -> memref<64x128xf32, #tpu.memory_space<vmem>>
        %dma_start3A_348 = arith.constant 0 : i32
        %dma_start3A_349 = tpu.memref_slice %arg5[%dma_start3A_348, %multiple_of3A_335] : memref<64x1000000xf32, #tpu.memory_space<hbm>> -> memref<64x128xf32, #tpu.memory_space<hbm>>
        tpu.enqueue_dma source(%dma_start3A_349 : memref<64x128xf32, #tpu.memory_space<hbm>>) target(%dma_start3A_347 : memref<64x128xf32, #tpu.memory_space<vmem>>) target_semaphore(%arg17 : memref<!tpu.dma_semaphore, #tpu.memory_space<semaphore_mem>>)
      } else {
      }
      %lt3A_287 = arith.constant 512 : i32
      %lt3A_288 = arith.cmpi slt, %add3A_279, %lt3A_287 : i32
      %convert_element_type3A_289 = arith.extui %lt3A_288 : i1 to i32
      %cond3A_290 = arith.constant 0 : i32
      %cond3A_291 = arith.cmpi ne, %convert_element_type3A_289, %cond3A_290 : i32
      scf.if %cond3A_291 {
        %dma_wait3A = arith.constant 5 : i32
        %dma_wait3A_306 = arith.constant 0 : i32
        %dma_wait3A_307 = arith.constant 0 : i32
        %dma_wait3A_308 = arith.constant 0 : i32
        %dma_wait3A_309 = tpu.memref_slice %arg11[%dma_wait3A, %dma_wait3A_306, %dma_wait3A_307, %dma_wait3A_308] : memref<7x1x64x128xf32, #tpu.memory_space<vmem>> -> memref<1x1x64x128xf32, #tpu.memory_space<vmem>>
        %dma_wait3A_310 = tpu.memref_squeeze %dma_wait3A_309 : memref<1x1x64x128xf32, #tpu.memory_space<vmem>> -> memref<64x128xf32, #tpu.memory_space<vmem>>
        %dma_wait3A_311 = arith.constant 0 : i32
        %dma_wait3A_312 = arith.constant 0 : i32
        %dma_wait3A_313 = tpu.memref_slice %arg4[%dma_wait3A_311, %dma_wait3A_312] : memref<64x1000000xf32, #tpu.memory_space<hbm>> -> memref<64x128xf32, #tpu.memory_space<hbm>>
        %dma_wait3A_314 = arith.constant 0 : i32
        %dma_wait3A_315 = arith.constant 0 : i32
        %dma_wait3A_316 = tpu.memref_slice %arg11[%dma_wait3A, %dma_wait3A_306, %dma_wait3A_314, %dma_wait3A_315] : memref<7x1x64x128xf32, #tpu.memory_space<vmem>> -> memref<1x1x64x128xf32, #tpu.memory_space<vmem>>
        %dma_wait3A_317 = tpu.memref_squeeze %dma_wait3A_316 : memref<1x1x64x128xf32, #tpu.memory_space<vmem>> -> memref<64x128xf32, #tpu.memory_space<vmem>>
        %dma_wait3A_318 = arith.constant 0 : i32
        %dma_wait3A_319 = arith.constant 0 : i32
        %dma_wait3A_320 = tpu.memref_slice %arg4[%dma_wait3A_318, %dma_wait3A_319] : memref<64x1000000xf32, #tpu.memory_space<hbm>> -> memref<64x128xf32, #tpu.memory_space<hbm>>
        tpu.wait_dma2 semaphore(%arg19 : memref<!tpu.dma_semaphore, #tpu.memory_space<semaphore_mem>>) src(%dma_wait3A_320 : memref<64x128xf32, #tpu.memory_space<hbm>>) dst(%dma_wait3A_317 : memref<64x128xf32, #tpu.memory_space<vmem>>)
        %dma_wait3A_321 = arith.constant 5 : i32
        %dma_wait3A_322 = arith.constant 0 : i32
        %dma_wait3A_323 = arith.constant 0 : i32
        %dma_wait3A_324 = arith.constant 0 : i32
        %dma_wait3A_325 = tpu.memref_slice %arg12[%dma_wait3A_321, %dma_wait3A_322, %dma_wait3A_323, %dma_wait3A_324] : memref<7x1x64x128xf32, #tpu.memory_space<vmem>> -> memref<1x1x64x128xf32, #tpu.memory_space<vmem>>
        %dma_wait3A_326 = tpu.memref_squeeze %dma_wait3A_325 : memref<1x1x64x128xf32, #tpu.memory_space<vmem>> -> memref<64x128xf32, #tpu.memory_space<vmem>>
        %dma_wait3A_327 = arith.constant 0 : i32
        %dma_wait3A_328 = arith.constant 0 : i32
        %dma_wait3A_329 = tpu.memref_slice %arg5[%dma_wait3A_327, %dma_wait3A_328] : memref<64x1000000xf32, #tpu.memory_space<hbm>> -> memref<64x128xf32, #tpu.memory_space<hbm>>
        %dma_wait3A_330 = arith.constant 0 : i32
        %dma_wait3A_331 = arith.constant 0 : i32
        %dma_wait3A_332 = tpu.memref_slice %arg12[%dma_wait3A_321, %dma_wait3A_322, %dma_wait3A_330, %dma_wait3A_331] : memref<7x1x64x128xf32, #tpu.memory_space<vmem>> -> memref<1x1x64x128xf32, #tpu.memory_space<vmem>>
        %dma_wait3A_333 = tpu.memref_squeeze %dma_wait3A_332 : memref<1x1x64x128xf32, #tpu.memory_space<vmem>> -> memref<64x128xf32, #tpu.memory_space<vmem>>
        %dma_wait3A_334 = arith.constant 0 : i32
        %dma_wait3A_335 = arith.constant 0 : i32
        %dma_wait3A_336 = tpu.memref_slice %arg5[%dma_wait3A_334, %dma_wait3A_335] : memref<64x1000000xf32, #tpu.memory_space<hbm>> -> memref<64x128xf32, #tpu.memory_space<hbm>>
        tpu.wait_dma2 semaphore(%arg19 : memref<!tpu.dma_semaphore, #tpu.memory_space<semaphore_mem>>) src(%dma_wait3A_336 : memref<64x128xf32, #tpu.memory_space<hbm>>) dst(%dma_wait3A_333 : memref<64x128xf32, #tpu.memory_space<vmem>>)
        %iota3A = tpu.iota {dimensions = array<i32: 0>} : vector<16xi32>
        %eq3A = arith.constant 0 : i32
        %eq3A_337 = vector.broadcast %eq3A : i32 to vector<16xi32>
        %eq3A_338 = arith.cmpi eq, %iota3A, %eq3A_337 : vector<16xi32>
        %mul3A_339 = arith.constant 1 : i32
        %mul3A_340 = arith.muli %add3A_279, %mul3A_339 : i32
        %add3A_341 = arith.constant 0 : i32
        %add3A_342 = arith.addi %mul3A_340, %add3A_341 : i32
        %broadcast_in_dim3A_343 = vector.broadcast %add3A_342 : i32 to vector<16xi32>
        %gather3A_344 = tpu.vector_load_idx %arg9[%broadcast_in_dim3A_343] : memref<512xi32, #tpu.memory_space<vmem>>[vector<16xi32>], vector<16xi32>,
        %broadcast_in_dim3A_345 = vector.broadcast %add3A_342 : i32 to vector<16xi32>
        %gather3A_346 = tpu.vector_load_idx %arg10[%broadcast_in_dim3A_345] : memref<512xi32, #tpu.memory_space<vmem>>[vector<16xi32>], vector<16xi32>,
        %iota3A_347 = tpu.iota {dimensions = array<i32: 0>} : vector<16xi32>
        %add3A_348 = arith.constant 0 : i32
        %add3A_349 = vector.broadcast %add3A_348 : i32 to vector<16xi32>
        %add3A_350 = arith.addi %add3A_349, %iota3A_347 : vector<16xi32>
        %gather3A_351 = arith.constant 5 : i32
        %gather3A_352 = arith.constant 0 : i32
        %gather3A_353 = arith.constant 0 : i32
        %gather3A_354 = arith.constant 0 : i32
        %gather3A_355 = tpu.memref_slice %arg11[%gather3A_351, %gather3A_352, %gather3A_353, %gather3A_354] : memref<7x1x64x128xf32, #tpu.memory_space<vmem>> -> memref<1x1x64x128xf32, #tpu.memory_space<vmem>>
        %gather3A_356 = tpu.memref_squeeze %gather3A_355 : memref<1x1x64x128xf32, #tpu.memory_space<vmem>> -> memref<64x128xf32, #tpu.memory_space<vmem>>
        %gather3A_357 = tpu.vector_load_idx %gather3A_356[%add3A_350, %gather3A_344] : memref<64x128xf32, #tpu.memory_space<vmem>>[vector<16xi32>, vector<16xi32>], vector<16xf32>,
        %gather3A_358 = arith.constant 5 : i32
        %gather3A_359 = arith.constant 0 : i32
        %gather3A_360 = arith.constant 0 : i32
        %gather3A_361 = arith.constant 0 : i32
        %gather3A_362 = tpu.memref_slice %arg12[%gather3A_358, %gather3A_359, %gather3A_360, %gather3A_361] : memref<7x1x64x128xf32, #tpu.memory_space<vmem>> -> memref<1x1x64x128xf32, #tpu.memory_space<vmem>>
        %gather3A_363 = tpu.memref_squeeze %gather3A_362 : memref<1x1x64x128xf32, #tpu.memory_space<vmem>> -> memref<64x128xf32, #tpu.memory_space<vmem>>
        %gather3A_364 = tpu.vector_load_idx %gather3A_363[%add3A_350, %gather3A_346] : memref<64x128xf32, #tpu.memory_space<vmem>>[vector<16xi32>, vector<16xi32>], vector<16xf32>,
        %mul3A_365 = arith.mulf %gather3A_357, %gather3A_364 : vector<16xf32>
        %iota3A_366 = tpu.iota {dimensions = array<i32: 0>} : vector<16xi32>
        %add3A_367 = arith.constant 16 : i32
        %add3A_368 = vector.broadcast %add3A_367 : i32 to vector<16xi32>
        %add3A_369 = arith.addi %add3A_368, %iota3A_366 : vector<16xi32>
        %gather3A_370 = arith.constant 5 : i32
        %gather3A_371 = arith.constant 0 : i32
        %gather3A_372 = arith.constant 0 : i32
        %gather3A_373 = arith.constant 0 : i32
        %gather3A_374 = tpu.memref_slice %arg11[%gather3A_370, %gather3A_371, %gather3A_372, %gather3A_373] : memref<7x1x64x128xf32, #tpu.memory_space<vmem>> -> memref<1x1x64x128xf32, #tpu.memory_space<vmem>>
        %gather3A_375 = tpu.memref_squeeze %gather3A_374 : memref<1x1x64x128xf32, #tpu.memory_space<vmem>> -> memref<64x128xf32, #tpu.memory_space<vmem>>
        %gather3A_376 = tpu.vector_load_idx %gather3A_375[%add3A_369, %gather3A_344] : memref<64x128xf32, #tpu.memory_space<vmem>>[vector<16xi32>, vector<16xi32>], vector<16xf32>,
        %gather3A_377 = arith.constant 5 : i32
        %gather3A_378 = arith.constant 0 : i32
        %gather3A_379 = arith.constant 0 : i32
        %gather3A_380 = arith.constant 0 : i32
        %gather3A_381 = tpu.memref_slice %arg12[%gather3A_377, %gather3A_378, %gather3A_379, %gather3A_380] : memref<7x1x64x128xf32, #tpu.memory_space<vmem>> -> memref<1x1x64x128xf32, #tpu.memory_space<vmem>>
        %gather3A_382 = tpu.memref_squeeze %gather3A_381 : memref<1x1x64x128xf32, #tpu.memory_space<vmem>> -> memref<64x128xf32, #tpu.memory_space<vmem>>
        %gather3A_383 = tpu.vector_load_idx %gather3A_382[%add3A_369, %gather3A_346] : memref<64x128xf32, #tpu.memory_space<vmem>>[vector<16xi32>, vector<16xi32>], vector<16xf32>,
        %mul3A_384 = arith.mulf %gather3A_376, %gather3A_383 : vector<16xf32>
        %add3A_385 = arith.addf %mul3A_365, %mul3A_384 : vector<16xf32>
        %iota3A_386 = tpu.iota {dimensions = array<i32: 0>} : vector<16xi32>
        %add3A_387 = arith.constant 32 : i32
        %add3A_388 = vector.broadcast %add3A_387 : i32 to vector<16xi32>
        %add3A_389 = arith.addi %add3A_388, %iota3A_386 : vector<16xi32>
        %gather3A_390 = arith.constant 5 : i32
        %gather3A_391 = arith.constant 0 : i32
        %gather3A_392 = arith.constant 0 : i32
        %gather3A_393 = arith.constant 0 : i32
        %gather3A_394 = tpu.memref_slice %arg11[%gather3A_390, %gather3A_391, %gather3A_392, %gather3A_393] : memref<7x1x64x128xf32, #tpu.memory_space<vmem>> -> memref<1x1x64x128xf32, #tpu.memory_space<vmem>>
        %gather3A_395 = tpu.memref_squeeze %gather3A_394 : memref<1x1x64x128xf32, #tpu.memory_space<vmem>> -> memref<64x128xf32, #tpu.memory_space<vmem>>
        %gather3A_396 = tpu.vector_load_idx %gather3A_395[%add3A_389, %gather3A_344] : memref<64x128xf32, #tpu.memory_space<vmem>>[vector<16xi32>, vector<16xi32>], vector<16xf32>,
        %gather3A_397 = arith.constant 5 : i32
        %gather3A_398 = arith.constant 0 : i32
        %gather3A_399 = arith.constant 0 : i32
        %gather3A_400 = arith.constant 0 : i32
        %gather3A_401 = tpu.memref_slice %arg12[%gather3A_397, %gather3A_398, %gather3A_399, %gather3A_400] : memref<7x1x64x128xf32, #tpu.memory_space<vmem>> -> memref<1x1x64x128xf32, #tpu.memory_space<vmem>>
        %gather3A_402 = tpu.memref_squeeze %gather3A_401 : memref<1x1x64x128xf32, #tpu.memory_space<vmem>> -> memref<64x128xf32, #tpu.memory_space<vmem>>
        %gather3A_403 = tpu.vector_load_idx %gather3A_402[%add3A_389, %gather3A_346] : memref<64x128xf32, #tpu.memory_space<vmem>>[vector<16xi32>, vector<16xi32>], vector<16xf32>,
        %mul3A_404 = arith.mulf %gather3A_396, %gather3A_403 : vector<16xf32>
        %add3A_405 = arith.addf %add3A_385, %mul3A_404 : vector<16xf32>
        %iota3A_406 = tpu.iota {dimensions = array<i32: 0>} : vector<16xi32>
        %add3A_407 = arith.constant 48 : i32
        %add3A_408 = vector.broadcast %add3A_407 : i32 to vector<16xi32>
        %add3A_409 = arith.addi %add3A_408, %iota3A_406 : vector<16xi32>
        %gather3A_410 = arith.constant 5 : i32
        %gather3A_411 = arith.constant 0 : i32
        %gather3A_412 = arith.constant 0 : i32
        %gather3A_413 = arith.constant 0 : i32
        %gather3A_414 = tpu.memref_slice %arg11[%gather3A_410, %gather3A_411, %gather3A_412, %gather3A_413] : memref<7x1x64x128xf32, #tpu.memory_space<vmem>> -> memref<1x1x64x128xf32, #tpu.memory_space<vmem>>
        %gather3A_415 = tpu.memref_squeeze %gather3A_414 : memref<1x1x64x128xf32, #tpu.memory_space<vmem>> -> memref<64x128xf32, #tpu.memory_space<vmem>>
        %gather3A_416 = tpu.vector_load_idx %gather3A_415[%add3A_409, %gather3A_344] : memref<64x128xf32, #tpu.memory_space<vmem>>[vector<16xi32>, vector<16xi32>], vector<16xf32>,
        %gather3A_417 = arith.constant 5 : i32
        %gather3A_418 = arith.constant 0 : i32
        %gather3A_419 = arith.constant 0 : i32
        %gather3A_420 = arith.constant 0 : i32
        %gather3A_421 = tpu.memref_slice %arg12[%gather3A_417, %gather3A_418, %gather3A_419, %gather3A_420] : memref<7x1x64x128xf32, #tpu.memory_space<vmem>> -> memref<1x1x64x128xf32, #tpu.memory_space<vmem>>
        %gather3A_422 = tpu.memref_squeeze %gather3A_421 : memref<1x1x64x128xf32, #tpu.memory_space<vmem>> -> memref<64x128xf32, #tpu.memory_space<vmem>>
        %gather3A_423 = tpu.vector_load_idx %gather3A_422[%add3A_409, %gather3A_346] : memref<64x128xf32, #tpu.memory_space<vmem>>[vector<16xi32>, vector<16xi32>], vector<16xf32>,
        %mul3A_424 = arith.mulf %gather3A_416, %gather3A_423 : vector<16xf32>
        %add3A_425 = arith.addf %add3A_405, %mul3A_424 : vector<16xf32>
        %reduce_sum3A = arith.constant true
        %reduce_sum3A_426 = vector.broadcast %reduce_sum3A : i1 to vector<16xi1>
        %reduce_sum3A_427 = tpu.scan <sum>, %add3A_425 masked %reduce_sum3A_426 : vector<16xf32>, vector<16xi1> -> vector<16xf32>
        %reduce_sum3A_428 = vector.extract %reduce_sum3A_427[15] : f32 from vector<16xf32>
        %broadcast_in_dim3A_429 = vector.broadcast %reduce_sum3A_428 : f32 to vector<16xf32>
        %broadcast_in_dim3A_430 = vector.broadcast %add3A_342 : i32 to vector<16xi32>
        tpu.vector_store_idx %arg13[%broadcast_in_dim3A_430], %broadcast_in_dim3A_429 masked %eq3A_338 : memref<512xf32, #tpu.memory_space<vmem>>[vector<16xi32>], vector<16xf32>, vector<16xi1>
      } else {
      }
      %add3A_292 = arith.constant 6 : i32
      %add3A_293 = arith.addi %mul3A_210, %add3A_292 : i32
      %add3A_294 = arith.constant 5 : i32
      %add3A_295 = arith.addi %add3A_293, %add3A_294 : i32
      %lt3A_296 = arith.constant 512 : i32
      %lt3A_297 = arith.cmpi slt, %add3A_295, %lt3A_296 : i32
      %convert_element_type3A_298 = arith.extui %lt3A_297 : i1 to i32
      %cond3A_299 = arith.constant 0 : i32
      %cond3A_300 = arith.cmpi ne, %convert_element_type3A_298, %cond3A_299 : i32
      scf.if %cond3A_300 {
        %add3A_306 = arith.constant 5 : i32
        %add3A_307 = arith.addi %add3A_293, %add3A_306 : i32
        %mul3A_308 = arith.constant 1 : i32
        %mul3A_309 = arith.muli %add3A_307, %mul3A_308 : i32
        %add3A_310 = arith.constant 0 : i32
        %add3A_311 = arith.addi %mul3A_309, %add3A_310 : i32
        %broadcast_in_dim3A_312 = vector.broadcast %add3A_311 : i32 to vector<16xi32>
        %gather3A_313 = tpu.vector_load_idx %arg7[%broadcast_in_dim3A_312] : memref<512xi32, #tpu.memory_space<vmem>>[vector<16xi32>], vector<16xi32>,
        %slice3A_314 = vector.extract_strided_slice %gather3A_313 {offsets = [0], sizes = [1], strides = [1]} : vector<16xi32> to vector<1xi32>
        %squeeze3A_315 = vector.extract %slice3A_314[0] : i32 from vector<1xi32>
        %broadcast_in_dim3A_316 = vector.broadcast %add3A_311 : i32 to vector<16xi32>
        %gather3A_317 = tpu.vector_load_idx %arg8[%broadcast_in_dim3A_316] : memref<512xi32, #tpu.memory_space<vmem>>[vector<16xi32>], vector<16xi32>,
        %slice3A_318 = vector.extract_strided_slice %gather3A_317 {offsets = [0], sizes = [1], strides = [1]} : vector<16xi32> to vector<1xi32>
        %squeeze3A_319 = vector.extract %slice3A_318[0] : i32 from vector<1xi32>
        %multiple_of3A_320 = tpu.assume_multiple %squeeze3A_315, 128 : i32
        %dma_start3A_321 = arith.constant 4 : i32
        %dma_start3A_322 = arith.constant 0 : i32
        %dma_start3A_323 = arith.constant 0 : i32
        %dma_start3A_324 = arith.constant 0 : i32
        %dma_start3A_325 = tpu.memref_slice %arg11[%dma_start3A_321, %dma_start3A_322, %dma_start3A_323, %dma_start3A_324] : memref<7x1x64x128xf32, #tpu.memory_space<vmem>> -> memref<1x1x64x128xf32, #tpu.memory_space<vmem>>
        %dma_start3A_326 = tpu.memref_squeeze %dma_start3A_325 : memref<1x1x64x128xf32, #tpu.memory_space<vmem>> -> memref<64x128xf32, #tpu.memory_space<vmem>>
        %dma_start3A_327 = arith.constant 0 : i32
        %dma_start3A_328 = tpu.memref_slice %arg4[%dma_start3A_327, %multiple_of3A_320] : memref<64x1000000xf32, #tpu.memory_space<hbm>> -> memref<64x128xf32, #tpu.memory_space<hbm>>
        %dma_start3A_329 = arith.constant 0 : i32
        %dma_start3A_330 = arith.constant 0 : i32
        %dma_start3A_331 = tpu.memref_slice %arg11[%dma_start3A_321, %dma_start3A_322, %dma_start3A_329, %dma_start3A_330] : memref<7x1x64x128xf32, #tpu.memory_space<vmem>> -> memref<1x1x64x128xf32, #tpu.memory_space<vmem>>
        %dma_start3A_332 = tpu.memref_squeeze %dma_start3A_331 : memref<1x1x64x128xf32, #tpu.memory_space<vmem>> -> memref<64x128xf32, #tpu.memory_space<vmem>>
        %dma_start3A_333 = arith.constant 0 : i32
        %dma_start3A_334 = tpu.memref_slice %arg4[%dma_start3A_333, %multiple_of3A_320] : memref<64x1000000xf32, #tpu.memory_space<hbm>> -> memref<64x128xf32, #tpu.memory_space<hbm>>
        tpu.enqueue_dma source(%dma_start3A_334 : memref<64x128xf32, #tpu.memory_space<hbm>>) target(%dma_start3A_332 : memref<64x128xf32, #tpu.memory_space<vmem>>) target_semaphore(%arg18 : memref<!tpu.dma_semaphore, #tpu.memory_space<semaphore_mem>>)
        %multiple_of3A_335 = tpu.assume_multiple %squeeze3A_319, 128 : i32
        %dma_start3A_336 = arith.constant 4 : i32
        %dma_start3A_337 = arith.constant 0 : i32
        %dma_start3A_338 = arith.constant 0 : i32
        %dma_start3A_339 = arith.constant 0 : i32
        %dma_start3A_340 = tpu.memref_slice %arg12[%dma_start3A_336, %dma_start3A_337, %dma_start3A_338, %dma_start3A_339] : memref<7x1x64x128xf32, #tpu.memory_space<vmem>> -> memref<1x1x64x128xf32, #tpu.memory_space<vmem>>
        %dma_start3A_341 = tpu.memref_squeeze %dma_start3A_340 : memref<1x1x64x128xf32, #tpu.memory_space<vmem>> -> memref<64x128xf32, #tpu.memory_space<vmem>>
        %dma_start3A_342 = arith.constant 0 : i32
        %dma_start3A_343 = tpu.memref_slice %arg5[%dma_start3A_342, %multiple_of3A_335] : memref<64x1000000xf32, #tpu.memory_space<hbm>> -> memref<64x128xf32, #tpu.memory_space<hbm>>
        %dma_start3A_344 = arith.constant 0 : i32
        %dma_start3A_345 = arith.constant 0 : i32
        %dma_start3A_346 = tpu.memref_slice %arg12[%dma_start3A_336, %dma_start3A_337, %dma_start3A_344, %dma_start3A_345] : memref<7x1x64x128xf32, #tpu.memory_space<vmem>> -> memref<1x1x64x128xf32, #tpu.memory_space<vmem>>
        %dma_start3A_347 = tpu.memref_squeeze %dma_start3A_346 : memref<1x1x64x128xf32, #tpu.memory_space<vmem>> -> memref<64x128xf32, #tpu.memory_space<vmem>>
        %dma_start3A_348 = arith.constant 0 : i32
        %dma_start3A_349 = tpu.memref_slice %arg5[%dma_start3A_348, %multiple_of3A_335] : memref<64x1000000xf32, #tpu.memory_space<hbm>> -> memref<64x128xf32, #tpu.memory_space<hbm>>
        tpu.enqueue_dma source(%dma_start3A_349 : memref<64x128xf32, #tpu.memory_space<hbm>>) target(%dma_start3A_347 : memref<64x128xf32, #tpu.memory_space<vmem>>) target_semaphore(%arg18 : memref<!tpu.dma_semaphore, #tpu.memory_space<semaphore_mem>>)
      } else {
      }
      %lt3A_301 = arith.constant 512 : i32
      %lt3A_302 = arith.cmpi slt, %add3A_293, %lt3A_301 : i32
      %convert_element_type3A_303 = arith.extui %lt3A_302 : i1 to i32
      %cond3A_304 = arith.constant 0 : i32
      %cond3A_305 = arith.cmpi ne, %convert_element_type3A_303, %cond3A_304 : i32
      scf.if %cond3A_305 {
        %dma_wait3A = arith.constant 6 : i32
        %dma_wait3A_306 = arith.constant 0 : i32
        %dma_wait3A_307 = arith.constant 0 : i32
        %dma_wait3A_308 = arith.constant 0 : i32
        %dma_wait3A_309 = tpu.memref_slice %arg11[%dma_wait3A, %dma_wait3A_306, %dma_wait3A_307, %dma_wait3A_308] : memref<7x1x64x128xf32, #tpu.memory_space<vmem>> -> memref<1x1x64x128xf32, #tpu.memory_space<vmem>>
        %dma_wait3A_310 = tpu.memref_squeeze %dma_wait3A_309 : memref<1x1x64x128xf32, #tpu.memory_space<vmem>> -> memref<64x128xf32, #tpu.memory_space<vmem>>
        %dma_wait3A_311 = arith.constant 0 : i32
        %dma_wait3A_312 = arith.constant 0 : i32
        %dma_wait3A_313 = tpu.memref_slice %arg4[%dma_wait3A_311, %dma_wait3A_312] : memref<64x1000000xf32, #tpu.memory_space<hbm>> -> memref<64x128xf32, #tpu.memory_space<hbm>>
        %dma_wait3A_314 = arith.constant 0 : i32
        %dma_wait3A_315 = arith.constant 0 : i32
        %dma_wait3A_316 = tpu.memref_slice %arg11[%dma_wait3A, %dma_wait3A_306, %dma_wait3A_314, %dma_wait3A_315] : memref<7x1x64x128xf32, #tpu.memory_space<vmem>> -> memref<1x1x64x128xf32, #tpu.memory_space<vmem>>
        %dma_wait3A_317 = tpu.memref_squeeze %dma_wait3A_316 : memref<1x1x64x128xf32, #tpu.memory_space<vmem>> -> memref<64x128xf32, #tpu.memory_space<vmem>>
        %dma_wait3A_318 = arith.constant 0 : i32
        %dma_wait3A_319 = arith.constant 0 : i32
        %dma_wait3A_320 = tpu.memref_slice %arg4[%dma_wait3A_318, %dma_wait3A_319] : memref<64x1000000xf32, #tpu.memory_space<hbm>> -> memref<64x128xf32, #tpu.memory_space<hbm>>
        tpu.wait_dma2 semaphore(%arg20 : memref<!tpu.dma_semaphore, #tpu.memory_space<semaphore_mem>>) src(%dma_wait3A_320 : memref<64x128xf32, #tpu.memory_space<hbm>>) dst(%dma_wait3A_317 : memref<64x128xf32, #tpu.memory_space<vmem>>)
        %dma_wait3A_321 = arith.constant 6 : i32
        %dma_wait3A_322 = arith.constant 0 : i32
        %dma_wait3A_323 = arith.constant 0 : i32
        %dma_wait3A_324 = arith.constant 0 : i32
        %dma_wait3A_325 = tpu.memref_slice %arg12[%dma_wait3A_321, %dma_wait3A_322, %dma_wait3A_323, %dma_wait3A_324] : memref<7x1x64x128xf32, #tpu.memory_space<vmem>> -> memref<1x1x64x128xf32, #tpu.memory_space<vmem>>
        %dma_wait3A_326 = tpu.memref_squeeze %dma_wait3A_325 : memref<1x1x64x128xf32, #tpu.memory_space<vmem>> -> memref<64x128xf32, #tpu.memory_space<vmem>>
        %dma_wait3A_327 = arith.constant 0 : i32
        %dma_wait3A_328 = arith.constant 0 : i32
        %dma_wait3A_329 = tpu.memref_slice %arg5[%dma_wait3A_327, %dma_wait3A_328] : memref<64x1000000xf32, #tpu.memory_space<hbm>> -> memref<64x128xf32, #tpu.memory_space<hbm>>
        %dma_wait3A_330 = arith.constant 0 : i32
        %dma_wait3A_331 = arith.constant 0 : i32
        %dma_wait3A_332 = tpu.memref_slice %arg12[%dma_wait3A_321, %dma_wait3A_322, %dma_wait3A_330, %dma_wait3A_331] : memref<7x1x64x128xf32, #tpu.memory_space<vmem>> -> memref<1x1x64x128xf32, #tpu.memory_space<vmem>>
        %dma_wait3A_333 = tpu.memref_squeeze %dma_wait3A_332 : memref<1x1x64x128xf32, #tpu.memory_space<vmem>> -> memref<64x128xf32, #tpu.memory_space<vmem>>
        %dma_wait3A_334 = arith.constant 0 : i32
        %dma_wait3A_335 = arith.constant 0 : i32
        %dma_wait3A_336 = tpu.memref_slice %arg5[%dma_wait3A_334, %dma_wait3A_335] : memref<64x1000000xf32, #tpu.memory_space<hbm>> -> memref<64x128xf32, #tpu.memory_space<hbm>>
        tpu.wait_dma2 semaphore(%arg20 : memref<!tpu.dma_semaphore, #tpu.memory_space<semaphore_mem>>) src(%dma_wait3A_336 : memref<64x128xf32, #tpu.memory_space<hbm>>) dst(%dma_wait3A_333 : memref<64x128xf32, #tpu.memory_space<vmem>>)
        %iota3A = tpu.iota {dimensions = array<i32: 0>} : vector<16xi32>
        %eq3A = arith.constant 0 : i32
        %eq3A_337 = vector.broadcast %eq3A : i32 to vector<16xi32>
        %eq3A_338 = arith.cmpi eq, %iota3A, %eq3A_337 : vector<16xi32>
        %mul3A_339 = arith.constant 1 : i32
        %mul3A_340 = arith.muli %add3A_293, %mul3A_339 : i32
        %add3A_341 = arith.constant 0 : i32
        %add3A_342 = arith.addi %mul3A_340, %add3A_341 : i32
        %broadcast_in_dim3A_343 = vector.broadcast %add3A_342 : i32 to vector<16xi32>
        %gather3A_344 = tpu.vector_load_idx %arg9[%broadcast_in_dim3A_343] : memref<512xi32, #tpu.memory_space<vmem>>[vector<16xi32>], vector<16xi32>,
        %broadcast_in_dim3A_345 = vector.broadcast %add3A_342 : i32 to vector<16xi32>
        %gather3A_346 = tpu.vector_load_idx %arg10[%broadcast_in_dim3A_345] : memref<512xi32, #tpu.memory_space<vmem>>[vector<16xi32>], vector<16xi32>,
        %iota3A_347 = tpu.iota {dimensions = array<i32: 0>} : vector<16xi32>
        %add3A_348 = arith.constant 0 : i32
        %add3A_349 = vector.broadcast %add3A_348 : i32 to vector<16xi32>
        %add3A_350 = arith.addi %add3A_349, %iota3A_347 : vector<16xi32>
        %gather3A_351 = arith.constant 6 : i32
        %gather3A_352 = arith.constant 0 : i32
        %gather3A_353 = arith.constant 0 : i32
        %gather3A_354 = arith.constant 0 : i32
        %gather3A_355 = tpu.memref_slice %arg11[%gather3A_351, %gather3A_352, %gather3A_353, %gather3A_354] : memref<7x1x64x128xf32, #tpu.memory_space<vmem>> -> memref<1x1x64x128xf32, #tpu.memory_space<vmem>>
        %gather3A_356 = tpu.memref_squeeze %gather3A_355 : memref<1x1x64x128xf32, #tpu.memory_space<vmem>> -> memref<64x128xf32, #tpu.memory_space<vmem>>
        %gather3A_357 = tpu.vector_load_idx %gather3A_356[%add3A_350, %gather3A_344] : memref<64x128xf32, #tpu.memory_space<vmem>>[vector<16xi32>, vector<16xi32>], vector<16xf32>,
        %gather3A_358 = arith.constant 6 : i32
        %gather3A_359 = arith.constant 0 : i32
        %gather3A_360 = arith.constant 0 : i32
        %gather3A_361 = arith.constant 0 : i32
        %gather3A_362 = tpu.memref_slice %arg12[%gather3A_358, %gather3A_359, %gather3A_360, %gather3A_361] : memref<7x1x64x128xf32, #tpu.memory_space<vmem>> -> memref<1x1x64x128xf32, #tpu.memory_space<vmem>>
        %gather3A_363 = tpu.memref_squeeze %gather3A_362 : memref<1x1x64x128xf32, #tpu.memory_space<vmem>> -> memref<64x128xf32, #tpu.memory_space<vmem>>
        %gather3A_364 = tpu.vector_load_idx %gather3A_363[%add3A_350, %gather3A_346] : memref<64x128xf32, #tpu.memory_space<vmem>>[vector<16xi32>, vector<16xi32>], vector<16xf32>,
        %mul3A_365 = arith.mulf %gather3A_357, %gather3A_364 : vector<16xf32>
        %iota3A_366 = tpu.iota {dimensions = array<i32: 0>} : vector<16xi32>
        %add3A_367 = arith.constant 16 : i32
        %add3A_368 = vector.broadcast %add3A_367 : i32 to vector<16xi32>
        %add3A_369 = arith.addi %add3A_368, %iota3A_366 : vector<16xi32>
        %gather3A_370 = arith.constant 6 : i32
        %gather3A_371 = arith.constant 0 : i32
        %gather3A_372 = arith.constant 0 : i32
        %gather3A_373 = arith.constant 0 : i32
        %gather3A_374 = tpu.memref_slice %arg11[%gather3A_370, %gather3A_371, %gather3A_372, %gather3A_373] : memref<7x1x64x128xf32, #tpu.memory_space<vmem>> -> memref<1x1x64x128xf32, #tpu.memory_space<vmem>>
        %gather3A_375 = tpu.memref_squeeze %gather3A_374 : memref<1x1x64x128xf32, #tpu.memory_space<vmem>> -> memref<64x128xf32, #tpu.memory_space<vmem>>
        %gather3A_376 = tpu.vector_load_idx %gather3A_375[%add3A_369, %gather3A_344] : memref<64x128xf32, #tpu.memory_space<vmem>>[vector<16xi32>, vector<16xi32>], vector<16xf32>,
        %gather3A_377 = arith.constant 6 : i32
        %gather3A_378 = arith.constant 0 : i32
        %gather3A_379 = arith.constant 0 : i32
        %gather3A_380 = arith.constant 0 : i32
        %gather3A_381 = tpu.memref_slice %arg12[%gather3A_377, %gather3A_378, %gather3A_379, %gather3A_380] : memref<7x1x64x128xf32, #tpu.memory_space<vmem>> -> memref<1x1x64x128xf32, #tpu.memory_space<vmem>>
        %gather3A_382 = tpu.memref_squeeze %gather3A_381 : memref<1x1x64x128xf32, #tpu.memory_space<vmem>> -> memref<64x128xf32, #tpu.memory_space<vmem>>
        %gather3A_383 = tpu.vector_load_idx %gather3A_382[%add3A_369, %gather3A_346] : memref<64x128xf32, #tpu.memory_space<vmem>>[vector<16xi32>, vector<16xi32>], vector<16xf32>,
        %mul3A_384 = arith.mulf %gather3A_376, %gather3A_383 : vector<16xf32>
        %add3A_385 = arith.addf %mul3A_365, %mul3A_384 : vector<16xf32>
        %iota3A_386 = tpu.iota {dimensions = array<i32: 0>} : vector<16xi32>
        %add3A_387 = arith.constant 32 : i32
        %add3A_388 = vector.broadcast %add3A_387 : i32 to vector<16xi32>
        %add3A_389 = arith.addi %add3A_388, %iota3A_386 : vector<16xi32>
        %gather3A_390 = arith.constant 6 : i32
        %gather3A_391 = arith.constant 0 : i32
        %gather3A_392 = arith.constant 0 : i32
        %gather3A_393 = arith.constant 0 : i32
        %gather3A_394 = tpu.memref_slice %arg11[%gather3A_390, %gather3A_391, %gather3A_392, %gather3A_393] : memref<7x1x64x128xf32, #tpu.memory_space<vmem>> -> memref<1x1x64x128xf32, #tpu.memory_space<vmem>>
        %gather3A_395 = tpu.memref_squeeze %gather3A_394 : memref<1x1x64x128xf32, #tpu.memory_space<vmem>> -> memref<64x128xf32, #tpu.memory_space<vmem>>
        %gather3A_396 = tpu.vector_load_idx %gather3A_395[%add3A_389, %gather3A_344] : memref<64x128xf32, #tpu.memory_space<vmem>>[vector<16xi32>, vector<16xi32>], vector<16xf32>,
        %gather3A_397 = arith.constant 6 : i32
        %gather3A_398 = arith.constant 0 : i32
        %gather3A_399 = arith.constant 0 : i32
        %gather3A_400 = arith.constant 0 : i32
        %gather3A_401 = tpu.memref_slice %arg12[%gather3A_397, %gather3A_398, %gather3A_399, %gather3A_400] : memref<7x1x64x128xf32, #tpu.memory_space<vmem>> -> memref<1x1x64x128xf32, #tpu.memory_space<vmem>>
        %gather3A_402 = tpu.memref_squeeze %gather3A_401 : memref<1x1x64x128xf32, #tpu.memory_space<vmem>> -> memref<64x128xf32, #tpu.memory_space<vmem>>
        %gather3A_403 = tpu.vector_load_idx %gather3A_402[%add3A_389, %gather3A_346] : memref<64x128xf32, #tpu.memory_space<vmem>>[vector<16xi32>, vector<16xi32>], vector<16xf32>,
        %mul3A_404 = arith.mulf %gather3A_396, %gather3A_403 : vector<16xf32>
        %add3A_405 = arith.addf %add3A_385, %mul3A_404 : vector<16xf32>
        %iota3A_406 = tpu.iota {dimensions = array<i32: 0>} : vector<16xi32>
        %add3A_407 = arith.constant 48 : i32
        %add3A_408 = vector.broadcast %add3A_407 : i32 to vector<16xi32>
        %add3A_409 = arith.addi %add3A_408, %iota3A_406 : vector<16xi32>
        %gather3A_410 = arith.constant 6 : i32
        %gather3A_411 = arith.constant 0 : i32
        %gather3A_412 = arith.constant 0 : i32
        %gather3A_413 = arith.constant 0 : i32
        %gather3A_414 = tpu.memref_slice %arg11[%gather3A_410, %gather3A_411, %gather3A_412, %gather3A_413] : memref<7x1x64x128xf32, #tpu.memory_space<vmem>> -> memref<1x1x64x128xf32, #tpu.memory_space<vmem>>
        %gather3A_415 = tpu.memref_squeeze %gather3A_414 : memref<1x1x64x128xf32, #tpu.memory_space<vmem>> -> memref<64x128xf32, #tpu.memory_space<vmem>>
        %gather3A_416 = tpu.vector_load_idx %gather3A_415[%add3A_409, %gather3A_344] : memref<64x128xf32, #tpu.memory_space<vmem>>[vector<16xi32>, vector<16xi32>], vector<16xf32>,
        %gather3A_417 = arith.constant 6 : i32
        %gather3A_418 = arith.constant 0 : i32
        %gather3A_419 = arith.constant 0 : i32
        %gather3A_420 = arith.constant 0 : i32
        %gather3A_421 = tpu.memref_slice %arg12[%gather3A_417, %gather3A_418, %gather3A_419, %gather3A_420] : memref<7x1x64x128xf32, #tpu.memory_space<vmem>> -> memref<1x1x64x128xf32, #tpu.memory_space<vmem>>
        %gather3A_422 = tpu.memref_squeeze %gather3A_421 : memref<1x1x64x128xf32, #tpu.memory_space<vmem>> -> memref<64x128xf32, #tpu.memory_space<vmem>>
        %gather3A_423 = tpu.vector_load_idx %gather3A_422[%add3A_409, %gather3A_346] : memref<64x128xf32, #tpu.memory_space<vmem>>[vector<16xi32>, vector<16xi32>], vector<16xf32>,
        %mul3A_424 = arith.mulf %gather3A_416, %gather3A_423 : vector<16xf32>
        %add3A_425 = arith.addf %add3A_405, %mul3A_424 : vector<16xf32>
        %reduce_sum3A = arith.constant true
        %reduce_sum3A_426 = vector.broadcast %reduce_sum3A : i1 to vector<16xi1>
        %reduce_sum3A_427 = tpu.scan <sum>, %add3A_425 masked %reduce_sum3A_426 : vector<16xf32>, vector<16xi1> -> vector<16xf32>
        %reduce_sum3A_428 = vector.extract %reduce_sum3A_427[15] : f32 from vector<16xf32>
        %broadcast_in_dim3A_429 = vector.broadcast %reduce_sum3A_428 : f32 to vector<16xf32>
        %broadcast_in_dim3A_430 = vector.broadcast %add3A_342 : i32 to vector<16xi32>
        tpu.vector_store_idx %arg13[%broadcast_in_dim3A_430], %broadcast_in_dim3A_429 masked %eq3A_338 : memref<512xf32, #tpu.memory_space<vmem>>[vector<16xi32>], vector<16xf32>, vector<16xi1>
      } else {
      }
    }
    %scan3A_207 = arith.constant 74 : i32
    "tpu.region"() ({
      %run_scoped3A = tpu.sem_alloc : memref<!tpu.dma_semaphore, #tpu.memory_space<semaphore_mem>>
      %dma_start3A_208 = tpu.memref_slice %arg6[%mul3A_2] : memref<16384xf32, #tpu.memory_space<hbm>> -> memref<512xf32, #tpu.memory_space<hbm>>
      %dma_start3A_209 = tpu.memref_slice %arg6[%mul3A_2] : memref<16384xf32, #tpu.memory_space<hbm>> -> memref<512xf32, #tpu.memory_space<hbm>>
      tpu.enqueue_dma source(%arg13 : memref<512xf32, #tpu.memory_space<vmem>>) target(%dma_start3A_209 : memref<512xf32, #tpu.memory_space<hbm>>) target_semaphore(%run_scoped3A : memref<!tpu.dma_semaphore, #tpu.memory_space<semaphore_mem>>)
      %dma_wait3A = tpu.memref_slice %arg6[%mul3A_2] : memref<16384xf32, #tpu.memory_space<hbm>> -> memref<512xf32, #tpu.memory_space<hbm>>
      %dma_wait3A_210 = tpu.memref_slice %arg6[%mul3A_2] : memref<16384xf32, #tpu.memory_space<hbm>> -> memref<512xf32, #tpu.memory_space<hbm>>
      tpu.wait_dma2 semaphore(%run_scoped3A : memref<!tpu.dma_semaphore, #tpu.memory_space<semaphore_mem>>) src(%arg13 : memref<512xf32, #tpu.memory_space<vmem>>) dst(%dma_wait3A_210 : memref<512xf32, #tpu.memory_space<hbm>>)
      tpu.yield
    }) : () -> ()
    return
  }
}

</mosaic_0001>

<sc_bundles>
// kernel: kernel.3.cloned.1.call-start
scs
__scs_entry_jumppad:
0x0: {  	(pc) =	sbr.rel $0x88, $3  }
0x1: {  	(tag) =	ssettag $0x0;
	lr =	simm.s32 $0x1  }
0x2: {  	[smem:$0x3F9D] =	sst lr;
	_ =	strace $0xD0000000  }
0x3: {  	_ = 	snop  }
0x4: {  	_ = 	snop  }
0x5: {  	_ = 	snop  }
0x6: {  	_ = 	snop  }
0x7: {  	_ = 	snop  }
__scs_overlays_trampoline_lowered:
0x8: {  	[smem:$0x3FAC] =	sst s0  }
0x9: {  	[smem:$0x3FAD] =	sst s1  }
0xa: {  	[smem:$0x3FAE] =	sst s2  }
0xb: {  	[smem:$0x3FAF] =	sst s3  }
0xc: {  	[smem:$0x3FB0] =	sst s4  }
0xd: {  	[smem:$0x3FB1] =	sst s5  }
0xe: {  	[smem:$0x3FB2] =	sst s6  }
0xf: {  	[smem:$0x3FB3] =	sst s7  }
0x10: {  	[smem:$0x3FB4] =	sst s8  }
0x11: {  	[smem:$0x3FB5] =	sst s9;
	s0 =	simm.s32 @!p0 $0x0  }
0x12: {  	s1 =	sld [smem:$0x3F9B];
	s0 =	simm.s32 @p0 $0x1  }
0x13: {  	[smem:$0x3FB6] =	sst s0;
	s0 =	simm.s32 @!p1 $0x0  }
0x14: {  	s2 =	sld [smem:$0x3F9A];
	s0 =	simm.s32 @p1 $0x1  }
0x15: {  	[smem:$0x3FB7] =	sst s0;
	s0 =	simm.s32 @!p2 $0x0  }
0x16: {  	s3 =	sld [smem:$0x3FDB];
	s0 =	simm.s32 @p2 $0x1  }
0x17: {  	s4 =	simm.s32 $0x1BF5;
	[smem:$0x3FB9] =	sst s0  }
0x18: {  	s0 =	sld [smem:$0x3F9C];
	_ =	swait.ge [sflag:s4], $0x0  }
0x19: {  	s7 =	sld [smem:$0x3F9D]  }
0x1a: {  	s8 =	sadd.s32 $0xFFFFE003, lr  }
0x1b: {  	s9 =	sadd.s32 $0xFFFFFEF7, lr;
	s5 =	simm.s32 $0xFFFFFFFF;
	p2 =	slt.u32 s8, $0xFFFFF086  }
0x1c: {  	p1 =	slt.u32 s9, $0xF7A;
	s5 =	simm.s32 @!p2 $0x0  }
0x1d: {  	s5 =	simm.s32 @p1 $0x1;
	p0 =	seq.s32 s7, s2  }
0x1e: {  	s7 =	smul.u32 @!p0 $0xF7A, s2;
	p2 =	seq.s32 @!p0 s5, $0x0  }
0x1f: {  	s9 =	smul.u32 $0xF7A, s1;
	s8 =	simm.s32 @!p0 $0x1BF5;
	p2 =	por !p2, p0  }
0x20: {  	[sflag:s8] =	ssyncset.s32 @!p0 $0xFFFFF086;
	s6 =	sadd.s32 @!p0 s3, s7;
	s7 =	simm.s32 @!p0 $0x108  }
0x21: {  	s3 =	sadd.s32 s3, s9;
	s6 =	sadd.s32 @!p0 $0x88, s6;
	s7 =	simm.s32 @p2 $0x1082  }
0x22: {  	[simem:s7], [sflag:s8] =	dma.local @!p0 [hbm:s6], $0xF7A  }
0x23: {  	s9 =	sor.u32 $0xD0000000, s2;
	s6 =	simm.s32 $0x108;
	_ =	swait.ge @!p0 [sflag:s8], $0x0  }
0x24: {  	s3 =	sadd.s32 $0x88, s3;
	s6 =	simm.s32 @!p1 $0x1082;
	[sflag:s4] =	ssyncset.s32 $0xFFFFF086  }
0x25: {  	[simem:s6], [sflag:s4] =	dma.local [hbm:s3], $0xF7A  }
0x26: {  	[smem:$0x3F9D] =	sst s1;
	(tag) =	ssettag s2;
	_ =	strace s9  }
0x27: {  	s1 =	sld [smem:$0x3FAD]  }
0x28: {  	s2 =	sld [smem:$0x3FAE]  }
0x29: {  	s4 =	sld [smem:$0x3FB0]  }
0x2a: {  	p0 =	seq.s32 s5, $0x0;
	s5 =	sld [smem:$0x3FB1]  }
0x2b: {  	s6 =	sld [smem:$0x3FB2]  }
0x2c: {  	s7 =	sld [smem:$0x3FB3]  }
0x2d: {  	s3 =	simm.s32 $0x108;
	s8 =	sld [smem:$0x3FB4]  }
0x2e: {  	s3 =	simm.s32 @!p0 $0x1082;
	s9 =	sld [smem:$0x3FB5]  }
0x2f: {  	lr =	sadd.s32 s0, s3;
	s0 =	sld [smem:$0x3FAC]  }
0x30: {  	s3 =	sld [smem:$0x3FAF]  }
0x31: {  	[smem:$0x3FB8] =	sst s10  }
0x32: {  	s10 =	sld [smem:$0x3FB6];
	_ =	sdelay $0x3  }
0x33: {  	p0 =	seq.s32 s10, $0x1;
	s10 =	sld [smem:$0x3FB8];
	_ =	sdelay $0x3  }
0x34: {  	[smem:$0x3FB8] =	sst s10  }
0x35: {  	s10 =	sld [smem:$0x3FB7];
	_ =	sdelay $0x3  }
0x36: {  	p1 =	seq.s32 s10, $0x1;
	s10 =	sld [smem:$0x3FB8];
	_ =	sdelay $0x3  }
0x37: {  	[smem:$0x3FB8] =	sst s10  }
0x38: {  	s10 =	sld [smem:$0x3FB9]  }
0x39: {  	_ = 	snop;
	(pc) =	sbr.ind lr, $3  }
0x3a: {  	_ = 	snop  }
0x3b: {  	_ = 	snop  }
0x3c: {  	p2 =	seq.s32 s10, $0x1;
	s10 =	sld [smem:$0x3FB8]  }
0x3d: {  	_ =	shalt  }
0x3e: {  	_ =	shalt  }
0x3f: {  	_ =	shalt  }
0x40: {  	_ =	shalt  }
0x41: {  	_ =	shalt  }
0x42: {  	_ =	shalt  }
0x43: {  	_ =	shalt  }
0x44: {  	_ =	shalt  }
0x45: {  	_ =	shalt  }
0x46: {  	_ =	shalt  }
0x47: {  	_ =	shalt  }
0x48: {  	_ =	shalt  }
0x49: {  	_ =	shalt  }
0x4a: {  	_ =	shalt  }
0x4b: {  	_ =	shalt  }
0x4c: {  	_ =	shalt  }
0x4d: {  	_ =	shalt  }
0x4e: {  	_ =	shalt  }
0x4f: {  	_ =	shalt  }
0x50: {  	_ =	shalt  }
0x51: {  	_ =	shalt  }
0x52: {  	_ =	shalt  }
0x53: {  	_ =	shalt  }
0x54: {  	_ =	shalt  }
0x55: {  	_ =	shalt  }
0x56: {  	_ =	shalt  }
0x57: {  	_ =	shalt  }
0x58: {  	_ =	shalt  }
0x59: {  	_ =	shalt  }
0x5a: {  	_ =	shalt  }
0x5b: {  	_ =	shalt  }
0x5c: {  	_ =	shalt  }
0x5d: {  	_ =	shalt  }
0x5e: {  	_ =	shalt  }
0x5f: {  	_ =	shalt  }
0x60: {  	_ =	shalt  }
0x61: {  	_ =	shalt  }
0x62: {  	_ =	shalt  }
0x63: {  	_ =	shalt  }
0x64: {  	_ =	shalt  }
0x65: {  	_ =	shalt  }
0x66: {  	_ =	shalt  }
0x67: {  	_ =	shalt  }
0x68: {  	_ =	shalt  }
0x69: {  	_ =	shalt  }
0x6a: {  	_ =	shalt  }
0x6b: {  	_ =	shalt  }
0x6c: {  	_ =	shalt  }
0x6d: {  	_ =	shalt  }
0x6e: {  	_ =	shalt  }
0x6f: {  	_ =	shalt  }
0x70: {  	_ =	shalt  }
0x71: {  	_ =	shalt  }
0x72: {  	_ =	shalt  }
0x73: {  	_ =	shalt  }
0x74: {  	_ =	shalt  }
0x75: {  	_ =	shalt  }
0x76: {  	_ =	shalt  }
0x77: {  	_ =	shalt  }
0x78: {  	_ =	shalt  }
0x79: {  	_ =	shalt  }
0x7a: {  	_ =	shalt  }
0x7b: {  	_ =	shalt  }
0x7c: {  	_ =	shalt  }
0x7d: {  	_ =	shalt  }
0x7e: {  	_ =	shalt  }
0x7f: {  	_ =	shalt  }
0x80: {  	_ =	shalt  }
0x81: {  	_ =	shalt  }
0x82: {  	_ =	shalt  }
0x83: {  	_ =	shalt  }
0x84: {  	_ =	shalt  }
0x85: {  	_ =	shalt  }
0x86: {  	_ =	shalt  }
0x87: {  	_ =	shalt  }
.Lfunc_end0:
.L_simem_size_0:
called_computation_lowered:
.L_overlay_start_0:
0x88: {  	s2 =	sld [smem:$0x3FD9]  }
0x89: {  	s3 =	sld [smem:$0x3FFE];
	_ =	sdelay $0x1  }
0x8a: {  	s1 =	srdreg.scid  }
0x8b: {  	s0 =	sand.u32 $0x1, s1  }
0x8c: {  	s18 =	sshll.u32 s0, $0xA;
	s2 =	sadd.s32 s3, s2  }
0x8d: {  	s2 =	sadd.s32 s2, s18  }
0x8e: {  	[smem:$0x3FC4] =	sst s2  }
0x8f: {  	_ = 	snop  }
0x90: {  	s2 =	sld [smem:$0x3FC9]  }
0x91: {  	s19 =	sld [smem:$0x3FC8]  }
0x92: {  	s4 =	sld [smem:$0x3FC7]  }
0x93: {  	s5 =	sld [smem:$0x3FC6]  }
0x94: {  	s6 =	sld [smem:$0x3FD0];
	(tm) =	ssettm $0x1  }
0x95: {  	s7 =	sld [smem:$0x3FFB];
	_ =	sdelay $0x3  }
0x96: {  	_ =	strace s7  }
0x97: {  	s7 =	sld [smem:$0x3FFC];
	_ =	sdelay $0x3  }
0x98: {  	_ =	strace s7  }
0x99: {  	s7 =	sld [smem:$0x3FFD];
	_ =	sdelay $0x3  }
0x9a: {  	_ =	strace s7  }
0x9b: {  	_ =	strace $0x8FFFFFFF  }
0x9c: {  	s20 =	sld [smem:$0x3FDB];
	_ =	sdelay $0x1  }
0x9d: {  	s8 =	simm.s32 $_scs_section_size  }
0x9e: {  	s9 =	simm.s32 $_size__tile_overlayer_lowered;
	s10 =	simm.s32 $_tile_overlayer_lowered  }
0x9f: {  	s23 =	simm.s32 $0x1BFF;
	s22 =	sshll.u32 s10, $0x1;
	s7 =	sadd.s32 s8, s20  }
0xa0: {  	s11 =	simm.s32 $0x0;
	s21 =	sshll.u32 s9, $0x1;
	s9 =	sadd.s32 s22, s7  }
0xa1: {  	[timem:s11], [sflag:s23] =	dma.local [hbm:s9], s21  }
0xa2: {  	_ =	swait.ge [sflag:s23], s21  }
0xa3: {  	s8 =	ssub.s32 $0x0, s21;
	[sflag:s23] =	ssyncset.done $0x0  }
0xa4: {  	[sflag:s23] =	ssyncadd.s32 s8;
	_ =	sdelay $0x1  }
0xa5: {  	s24 =	simm.s32 $0x1B8B  }
0xa6: {  	_ =	swait.ge [sflag:s24], $0x1  }
0xa7: {  	[sflag:s24] =	ssyncset.done $0x0  }
0xa8: {  	s25 =	simm.s32 $0x1B8E;
	[sflag:s24] =	ssyncadd.s32 $0xFFFFFFFF  }
0xa9: {  	s26 =	simm.s32 $execute0_lowered;
	[smem:$0x3FD2] =	sst s25  }
0xaa: {  	s8 =	sshll.u32 s26, $0x1;
	_ =	strace $0x80000046;
	[dreg:$0x1] =	wrdreg $0xFFFFFFFF  }
0xab: {  	s28 =	simm.s32 $_size_execute0_lowered;
	s7 =	sadd.s32 s7, s8;
	[dreg:$0x0] =	wrdreg $0x0  }
0xac: {  	s8 =	sshll.u32 s28, $0x1;
	[dreg:$0x2] =	wrdreg s7  }
0xad: {  	[dreg:$0x3] =	wrdreg s8  }
0xae: {  	[dreg:$0x4] =	wrdreg $0xC0  }
0xaf: {  	_ =	task [dreg:s11], $0x5FFFF  }
0xb0: {  	[dreg:$0x1] =	wrdreg $0xFFFFFFFF  }
0xb1: {  	[dreg:$0x0] =	wrdreg $0x60  }
0xb2: {  	[dreg:$0x2] =	wrdreg s2  }
0xb3: {  	[dreg:$0x3] =	wrdreg s19  }
0xb4: {  	[dreg:$0x4] =	wrdreg s4  }
0xb5: {  	[dreg:$0x5] =	wrdreg s5  }
0xb6: {  	[dreg:$0x6] =	wrdreg s6  }
0xb7: {  	[dreg:$0x7] =	wrdreg $0x9  }
0xb8: {  	_ =	task.clear_ibuf [dreg:s11], $0x8FFFF;
	_ =	strace $0x90000046  }
0xb9: {  	s29 =	simm.s32 $0x9;
	_ =	strace $0x80000048  }
0xba: {  	_ =	swait.ge [sflag:s29], $0x1  }
0xbb: {  	[sflag:s29] =	ssyncadd.s32 $0xFFFFFFFF  }
0xbc: {  	_ =	strace $0x90000048  }
0xbd: {  	_ =	sfence  }
0xbe: {  	s30 =	sld [smem:$0x0];
	_ =	sdelay $0x2  }
0xbf: {  	s31 =	sshll.u32 s1, $0xD;
	s1 =	sshrl.u32 s1, $0x2  }
0xc0: {  	s3 =	sand.u32 $0x4000, s31;
	s1 =	sadd.s32 s1, s30  }
0xc1: {  	s0 =	sor.u32 s3, s0;
	s1 =	sshll.u32 s1, $0x11  }
0xc2: {  	s0 =	sor.u32 s1, s0  }
0xc3: {  	s0 =	sadd.s32 $0x8F2B, s0  }
0xc4: {  	[sflag:s0] =	ssyncadd.remote.s32 $0x1  }
0xc5: {  	_ =	sfence.sel $0xFFFF  }
0xc6: {  	[dreg:$0x0] =	wrdreg $0xFFFFFFFF;
	(pc) =	sbr.abs _section_cstart, $3  }
0xc7: {  	[dreg:$0x1] =	wrdreg $0xFFFFFFFF  }
0xc8: {  	_ =	task.clear_ibuf [dreg:s11], $0x2FFFF;
	_ =	strace $0x9FFFFFFF  }
0xc9: {  	(tm) =	ssettm $0x7FFFFFFF  }
tec
execute0_lowered:
.L_overlay_start_1:
0x0: {  	(tag) =	ssettag $0x1  }
0x1: {  	s0 =	rddreg [dreg:$0x0]  }
0x2: {  	s3 =	rddreg [dreg:$0x1]  }
0x3: {  	s1 =	rddreg [dreg:$0x2]  }
0x4: {  	s2 =	rddreg [dreg:$0x3]  }
0x5: {  	s7 =	rddreg [dreg:$0x4];
	s5 =	srdreg.scid  }
0x6: {  	s4 =	simm.s32 $0x0;
	s8 =	stileid.u32;
	s10 =	simm.s32 $0x200  }
0x7: {  	s11 =	simm.s32 $0x400;
	s12 =	simm.s32 $0x7A1400;
	s13 =	simm.s32 $0x800  }
0x8: {  	s14 =	simm.s32 $0xE800;
	s23 =	simm.s32 $0x1;
	s24 =	simm.s32 $0x600  }
0x9: {  	s25 =	simm.s32 $0x1C800;
	s26 =	simm.s32 $0x0;
	s5 =	sand.u32 $0x1, s5  }
0xa: {  	s8 =	sshll.u32 s8, $0x7;
	s6 =	ssub.s32 $0x2, s5;
	s5 =	sshll.u32 s5, $0x6  }
0xb: {  	v1 =	vlaneseq.u32;
	[smem:$0x7FF] =	sst s4;
	s9 =	sshrl.u32 s6, $0x1;
	s8 =	sor.u32 s5, s8  }
0xc: {  	v0 =	vimm.s32 $0x1;
	v1 =	vmul.u32 $0x80, v1;
	_ =	strace $0x80000047;
	s9 =	ssub.s32 s6, s9;
	s0 =	sadd.s32 s0, s8  }
0xd: {  	v2 =	vimm.s32 $0x2;
	v3 =	vimm.s32 $0x3;
	v4 =	vimm.s32 $0x4;
	s31 =	sadd.s32 s3, s8;
	s7 =	sadd.s32 s7, s8;
	[dreg:$0x6] =	wrdreg s0  }
0xe: {  	v5 =	vor.u32 $0x800, v1;
	v6 =	vor.u32 $0x1000, v1;
	v7 =	vor.u32 $0x1800, v1;
	[dreg:$0x7] =	wrdreg s31;
	s8 =	smax.u32 s9, $0x1;
	s9 =	simm.s32 $0x8  }
.LBB2_1:
0xf: {  	s0 =	rddreg [dreg:$0x6]  }
0x10: {  	[tilespmem:s4], [sflag:$0x8] =	stream.linear.gather [hbm4b:s0+s4], $0x200, $0x38;
	[tilespmem:$0x1CA00] =	vst v63  }
0x11: {  	_ =	swait.ge [sflag:s9], $0x200  }
0x12: {  	[sflag:s9] =	ssyncset.done $0x0  }
0x13: {  	s31 =	rddreg [dreg:$0x7];
	[sflag:s9] =	ssyncadd.s32 $0xFFFFFE00  }
0x14: {  	[tilespmem:s10], [sflag:$0x8] =	stream.linear.gather [hbm4b:s31+s4], $0x200, $0x38;
	[tilespmem:$0x1CA00] =	vst v63  }
0x15: {  	_ =	swait.ge [sflag:s9], $0x200  }
0x16: {  	[sflag:s9] =	ssyncset.done $0x0  }
0x17: {  	s0 =	simm.s32 $0x0;
	[sflag:s9] =	ssyncadd.s32 $0xFFFFFE00  }
0x18: {  	v9 =	vld [tilespmem:s0+$0x0]  }
0x19: {  	v10 =	vld [tilespmem:s0+$0x200];
	_ =	sdelay $0x3  }
0x1a: {  	v8 =	vand.u32 $0xFFFFFF80, v9  }
0x1b: {  	s3 =	simm.s32 $0x10;
	v11 =	vand.u32 $0xFFFFFF80, v10;
	[tilespmem:s0+$0x0] =	vst v8  }
0x1c: {  	s15 =	simm.s32 $0x80;
	v9 =	vand.u32 $0x7F, v9;
	v10 =	vand.u32 $0x7F, v10;
	v8 =	vld [tilespmem:s3+$0x0];
	[tilespmem:s0+$0x200] =	vst v11  }
.LBB2_2:
0x1d: {  	p0 =	sne.s32 s15, $0x7C0;
	v11 =	vld [tilespmem:s3+$0x200];
	[tilespmem:s0+$0x400] =	vst v9  }
0x1e: {  	[tilespmem:s0+$0x600] =	vst v10;
	s0 =	smov.u32 s3  }
.Ltmp0:
0x1f: {  	(pc) =	sbr.rel @p0 .LBB2_2-.Ltmp0, $4  }
0x20: {  	_ = 	snop  }
0x21: {  	v9 =	vand.u32 $0x7F, v8;
	v8 =	vand.u32 $0xFFFFFF80, v8  }
0x22: {  	s3 =	sshra.s32 s15, $0x2;
	v10 =	vand.u32 $0x7F, v11;
	[tilespmem:s0+$0x0] =	vst v8;
	v11 =	vand.u32 $0xFFFFFF80, v11  }
0x23: {  	s15 =	sadd.s32 $0x40, s15;
	v8 =	vld [tilespmem:s3+$0x0];
	[tilespmem:s0+$0x200] =	vst v11  }
0x24: {  	_ = 	snop  }
0x25: {  	v11 =	vld [tilespmem:s3+$0x200];
	_ =	sdelay $0x1  }
0x26: {  	[tilespmem:s0+$0x400] =	vst v9  }
0x27: {  	[tilespmem:s0+$0x600] =	vst v10;
	v57 =	vand.u32 $0xFFFFFF80, v8  }
0x28: {  	v8 =	vand.u32 $0x7F, v8;
	[tilespmem:s3+$0x0] =	vst v57  }
0x29: {  	v58 =	vand.u32 $0xFFFFFF80, v11;
	[tilespmem:s3+$0x400] =	vst v8  }
0x2a: {  	v59 =	vand.u32 $0x7F, v11;
	[tilespmem:s3+$0x200] =	vst v58  }
0x2b: {  	s28 =	simm.s32 $0x0;
	[tilespmem:s3+$0x600] =	vst v59  }
0x2c: {  	v8 =	vld.msk [tilespmem:s28+$0x0], $0xffff;
	_ =	sdelay $0x1  }
0x2d: {  	v9 =	vld.msk [tilespmem:s10+$0x0], $0xffff;
	_ =	sdelay $0x2  }
0x2e: {  	(v2sf) =	vpush v8, $0x0;
	_ =	sdelay $0x1  }
0x2f: {  	(v2sf) =	vpush v9, $0x0;
	_ =	sdelay $0xc  }
0x30: {  	s19 =	spop (v2sf)  }
0x31: {  	s0 =	sand.u32 $0xFFFFF80, s19  }
0x32: {  	s20 =	spop (v2sf);
	s0 =	sadd.s32 s1, s0  }
0x33: {  	[tilespmem:s13], [sflag:$0x1] =	stream.strided.gather [hbm4b:s0+s11], $0x2000, s12, s11, $0x38;
	[tilespmem:$0x1CA00] =	vst v63  }
0x34: {  	s0 =	sand.u32 $0xFFFFF80, s20  }
0x35: {  	s0 =	sadd.s32 s2, s0  }
0x36: {  	[tilespmem:s14], [sflag:$0x1] =	stream.strided.gather [hbm4b:s0+s11], $0x2000, s12, s11, $0x38;
	[tilespmem:$0x1CA00] =	vst v63  }
0x37: {  	v8 =	vld.idx.msk [tilespmem:v0+s28+$0x0], $0xffff;
	_ =	sdelay $0x1  }
0x38: {  	v60 =	vld.idx.msk [tilespmem:v0+s10+$0x0], $0xffff;
	_ =	sdelay $0x2  }
0x39: {  	(v2sf) =	vpush v8, $0x0;
	_ =	sdelay $0x1  }
0x3a: {  	(v2sf) =	vpush v60, $0x0;
	_ =	sdelay $0xc  }
0x3b: {  	s21 =	spop (v2sf)  }
0x3c: {  	s0 =	sand.u32 $0xFFFFF80, s21  }
0x3d: {  	s22 =	simm.s32 $0x2800;
	s30 =	spop (v2sf);
	s0 =	sadd.s32 s1, s0  }
0x3e: {  	[tilespmem:s22], [sflag:$0x2] =	stream.strided.gather [hbm4b:s0+s11], $0x2000, s12, s11, $0x38;
	[tilespmem:$0x1CA00] =	vst v63  }
0x3f: {  	s0 =	sand.u32 $0xFFFFF80, s30  }
0x40: {  	s31 =	simm.s32 $0x10800;
	s0 =	sadd.s32 s2, s0  }
0x41: {  	[tilespmem:s31], [sflag:$0x2] =	stream.strided.gather [hbm4b:s0+s11], $0x2000, s12, s11, $0x38;
	[tilespmem:$0x1CA00] =	vst v63  }
0x42: {  	v8 =	vld.idx.msk [tilespmem:v2+s28+$0x0], $0xffff;
	_ =	sdelay $0x1  }
0x43: {  	v61 =	vld.idx.msk [tilespmem:v2+s10+$0x0], $0xffff;
	_ =	sdelay $0x2  }
0x44: {  	(v2sf) =	vpush v8, $0x0;
	_ =	sdelay $0x1  }
0x45: {  	(v2sf) =	vpush v61, $0x0;
	_ =	sdelay $0xc  }
0x46: {  	s5 =	spop (v2sf)  }
0x47: {  	s0 =	sand.u32 $0xFFFFF80, s5  }
0x48: {  	s6 =	simm.s32 $0x4800;
	s15 =	spop (v2sf);
	s0 =	sadd.s32 s1, s0  }
0x49: {  	[tilespmem:s6], [sflag:$0x3] =	stream.strided.gather [hbm4b:s0+s11], $0x2000, s12, s11, $0x38;
	[tilespmem:$0x1CA00] =	vst v63  }
0x4a: {  	s0 =	sand.u32 $0xFFFFF80, s15  }
0x4b: {  	s16 =	simm.s32 $0x12800;
	s0 =	sadd.s32 s2, s0  }
0x4c: {  	[tilespmem:s16], [sflag:$0x3] =	stream.strided.gather [hbm4b:s0+s11], $0x2000, s12, s11, $0x38;
	[tilespmem:$0x1CA00] =	vst v63  }
0x4d: {  	v8 =	vld.idx.msk [tilespmem:v3+s28+$0x0], $0xffff;
	_ =	sdelay $0x1  }
0x4e: {  	v62 =	vld.idx.msk [tilespmem:v3+s10+$0x0], $0xffff;
	_ =	sdelay $0x2  }
0x4f: {  	(v2sf) =	vpush v8, $0x0;
	_ =	sdelay $0x1  }
0x50: {  	(v2sf) =	vpush v62, $0x0;
	_ =	sdelay $0xc  }
0x51: {  	s17 =	spop (v2sf)  }
0x52: {  	s0 =	sand.u32 $0xFFFFF80, s17  }
0x53: {  	s18 =	simm.s32 $0x6800;
	s19 =	spop (v2sf);
	s0 =	sadd.s32 s1, s0  }
0x54: {  	[tilespmem:s18], [sflag:$0x4] =	stream.strided.gather [hbm4b:s0+s11], $0x2000, s12, s11, $0x38;
	[tilespmem:$0x1CA00] =	vst v63  }
0x55: {  	s0 =	sand.u32 $0xFFFFF80, s19  }
0x56: {  	s20 =	simm.s32 $0x14800;
	s0 =	sadd.s32 s2, s0  }
0x57: {  	[tilespmem:s20], [sflag:$0x4] =	stream.strided.gather [hbm4b:s0+s11], $0x2000, s12, s11, $0x38;
	[tilespmem:$0x1CA00] =	vst v63  }
0x58: {  	v8 =	vld.idx.msk [tilespmem:v4+s28+$0x0], $0xffff;
	_ =	sdelay $0x1  }
0x59: {  	v63 =	vld.idx.msk [tilespmem:v4+s10+$0x0], $0xffff;
	_ =	sdelay $0x2  }
0x5a: {  	(v2sf) =	vpush v8, $0x0;
	_ =	sdelay $0x1  }
0x5b: {  	(v2sf) =	vpush v63, $0x0;
	_ =	sdelay $0xc  }
0x5c: {  	s21 =	spop (v2sf)  }
0x5d: {  	s0 =	sand.u32 $0xFFFFF80, s21  }
0x5e: {  	s22 =	simm.s32 $0x8800;
	s30 =	spop (v2sf);
	s0 =	sadd.s32 s1, s0  }
0x5f: {  	[tilespmem:s22], [sflag:$0x5] =	stream.strided.gather [hbm4b:s0+s11], $0x2000, s12, s11, $0x38;
	[tilespmem:$0x1CA00] =	vst v63  }
0x60: {  	s0 =	sand.u32 $0xFFFFF80, s30  }
0x61: {  	s29 =	simm.s32 $0x0;
	s31 =	simm.s32 $0x16800;
	s0 =	sadd.s32 s2, s0  }
0x62: {  	[tilespmem:s31], [sflag:$0x5] =	stream.strided.gather [hbm4b:s0+s11], $0x2000, s12, s11, $0x38;
	[tilespmem:$0x1CA00] =	vst v63  }
.LBB2_4:
0x63: {  	s0 =	sadd.s32 $0x5, s28;
	p0 =	seq.s32 s28, $0x1FF  }
0x64: {  	v8 =	vmov @!p0 s0;
	_ =	sdelay $0x3  }
0x65: {  	s20 =	simm.s32 @!p0 $0x0  }
0x66: {  	v9 =	vld.idx.msk @!p0 [tilespmem:v8+s20+$0x0], $0xffff;
	_ =	sdelay $0x2  }
0x67: {  	s21 =	simm.s32 @!p0 $0x200  }
0x68: {  	v10 =	vld.idx.msk @!p0 [tilespmem:v8+s21+$0x0], $0xffff  }
0x69: {  	(v2sf) =	vpush @!p0 v9, $0x0;
	_ =	sdelay $0x3  }
0x6a: {  	(v2sf) =	vpush @!p0 v10, $0x0;
	_ =	sdelay $0xa  }
0x6b: {  	s0 =	spop @!p0 (v2sf)  }
0x6c: {  	s30 =	simm.s32 @!p0 $0x400;
	s0 =	sand.u32 @!p0 $0xFFFFF80, s0  }
0x6d: {  	s19 =	simm.s32 @!p0 $0x7A1400;
	s31 =	simm.s32 @!p0 $0xA800;
	s0 =	sadd.s32 @!p0 s1, s0  }
0x6e: {  	[tilespmem:s31], [sflag:$0x6] =	stream.strided.gather @!p0 [hbm4b:s0+s30], $0x2000, s19, s30, $0x38;
	[tilespmem:$0x1CA00] =	vst v63  }
0x6f: {  	s0 =	spop @!p0 (v2sf)  }
0x70: {  	s0 =	sand.u32 @!p0 $0xFFFFF80, s0  }
0x71: {  	s3 =	simm.s32 @!p0 $0x18800;
	s0 =	sadd.s32 @!p0 s2, s0  }
0x72: {  	[tilespmem:s3], [sflag:$0x6] =	stream.strided.gather @!p0 [hbm4b:s0+s30], $0x2000, s19, s30, $0x38;
	[tilespmem:$0x1CA00] =	vst v63  }
0x73: {  	_ =	swait.ge [sflag:s23], $0x2000  }
0x74: {  	v59 =	vmov s28;
	[sflag:s23] =	ssyncset.done $0x0  }
0x75: {  	[sflag:s23] =	ssyncadd.s32 $0xFFFFE000  }
0x76: {  	_ =	swait.ge [sflag:s23], $0x2000  }
0x77: {  	[sflag:s23] =	ssyncset.done $0x0  }
0x78: {  	[sflag:s23] =	ssyncadd.s32 $0xFFFFE000  }
0x79: {  	v60 =	vld.idx.msk [tilespmem:v59+s11+$0x0], $0xffff  }
0x7a: {  	v11 =	vld.idx.msk [tilespmem:v59+s24+$0x0], $0xffff;
	_ =	sdelay $0x3  }
0x7b: {  	v12 =	vadd.s32 v1, v60  }
0x7c: {  	v13 =	vadd.s32 v1, v11  }
0x7d: {  	v14 =	vadd.s32 v5, v60  }
0x7e: {  	v15 =	vadd.s32 v5, v11  }
0x7f: {  	v16 =	vadd.s32 v6, v60  }
0x80: {  	v17 =	vadd.s32 v6, v11;
	v12 =	vld.idx.msk [tilespmem:v12+s13+$0x0], $0xffff  }
0x81: {  	v9 =	vadd.s32 v7, v60;
	v13 =	vld.idx.msk [tilespmem:v13+s14+$0x0], $0xffff  }
0x82: {  	v11 =	vadd.s32 v7, v11;
	v14 =	vld.idx.msk [tilespmem:v14+s13+$0x0], $0xffff  }
0x83: {  	v15 =	vld.idx.msk [tilespmem:v15+s14+$0x0], $0xffff  }
0x84: {  	v16 =	vld.idx.msk [tilespmem:v16+s13+$0x0], $0xffff  }
0x85: {  	v17 =	vld.idx.msk [tilespmem:v17+s14+$0x0], $0xffff  }
0x86: {  	v9 =	vld.idx.msk [tilespmem:v9+s13+$0x0], $0xffff  }
0x87: {  	v11 =	vld.idx.msk [tilespmem:v11+s14+$0x0], $0xffff  }
0x88: {  	v12 =	vmul.f32 v13, v12;
	v61 =	vmul.f32 v15, v14;
	_ =	sdelay $0x1  }
0x89: {  	v62 =	vmul.f32 v17, v16;
	v12 =	vadd.f32 v61, v12;
	_ =	sdelay $0x1  }
0x8a: {  	v9 =	vmul.f32 v11, v9;
	v12 =	vadd.f32 v62, v12;
	_ =	sdelay $0x1  }
0x8b: {  	v9 =	vadd.f32 v9, v12;
	_ =	sdelay $0x1  }
0x8c: {  	(xrf2) =	vadd.scan.msk.f32 $0xffff, v9;
	_ =	sdelay $0x7  }
0x8d: {  	s0 =	sadd.s32 @!p0 $0x6, s28  }
0x8e: {  	v9 =	vmov @!p0 s0  }
0x8f: {  	v63, _, _ =	vpop (xrf2)  }
0x90: {  	v11 =	vbroadcast v63, $0xF;
	_ =	sdelay $0x1  }
0x91: {  	[tilespmem:v59+s25+$0x0] =	vst.idx.msk $0x1, v11  }
0x92: {  	v10 =	vld.idx.msk @!p0 [tilespmem:v9+s20+$0x0], $0xffff;
	_ =	sdelay $0x3  }
0x93: {  	v11 =	vld.idx.msk @!p0 [tilespmem:v9+s21+$0x0], $0xffff  }
0x94: {  	(v2sf) =	vpush @!p0 v10, $0x0;
	_ =	sdelay $0x3  }
0x95: {  	(v2sf) =	vpush @!p0 v11, $0x0;
	_ =	sdelay $0xa  }
0x96: {  	s0 =	spop @!p0 (v2sf)  }
0x97: {  	s0 =	sand.u32 @!p0 $0xFFFFF80, s0  }
0x98: {  	s15 =	sadd.s32 @!p0 s1, s0;
	s0 =	simm.s32 @!p0 $0xC800  }
0x99: {  	[tilespmem:s0], [sflag:$0x7] =	stream.strided.gather @!p0 [hbm4b:s15+s30], $0x2000, s19, s30, $0x38;
	[tilespmem:$0x1CA00] =	vst v63  }
0x9a: {  	s15 =	spop @!p0 (v2sf)  }
0x9b: {  	s15 =	sand.u32 @!p0 $0xFFFFF80, s15  }
0x9c: {  	s16 =	sadd.s32 @!p0 s2, s15;
	s15 =	simm.s32 @!p0 $0x1A800  }
0x9d: {  	[tilespmem:s15], [sflag:$0x7] =	stream.strided.gather @!p0 [hbm4b:s16+s30], $0x2000, s19, s30, $0x38;
	[tilespmem:$0x1CA00] =	vst v63  }
0x9e: {  	s16 =	simm.s32 @!p0 $0x2  }
0x9f: {  	s17 =	sadd.s32 @!p0 $0x1, s28;
	_ =	swait.ge @!p0 [sflag:s16], $0x2000  }
0xa0: {  	v14 =	vmov @!p0 s17;
	[sflag:s16] =	ssyncset.done @!p0 $0x0  }
0xa1: {  	[sflag:s16] =	ssyncadd.s32 @!p0 $0xFFFFE000  }
0xa2: {  	_ =	swait.ge @!p0 [sflag:s16], $0x2000  }
0xa3: {  	[sflag:s16] =	ssyncset.done @!p0 $0x0  }
0xa4: {  	[sflag:s16] =	ssyncadd.s32 @!p0 $0xFFFFE000  }
0xa5: {  	s16 =	simm.s32 @!p0 $0x600;
	v15 =	vld.idx.msk @!p0 [tilespmem:v14+s30+$0x0], $0xffff  }
0xa6: {  	v16 =	vld.idx.msk @!p0 [tilespmem:v14+s16+$0x0], $0xffff  }
0xa7: {  	v10 =	vlaneseq.u32 @!p0  }
0xa8: {  	v10 =	vmul.u32 @!p0 $0x80, v10;
	_ =	sdelay $0x1  }
0xa9: {  	v13 =	vadd.s32 @!p0 v10, v15  }
0xaa: {  	v11 =	vor.u32 @!p0 $0x800, v10;
	v17 =	vadd.s32 @!p0 v10, v16  }
0xab: {  	v18 =	vadd.s32 @!p0 v11, v15  }
0xac: {  	v12 =	vor.u32 @!p0 $0x1000, v10;
	v19 =	vadd.s32 @!p0 v11, v16  }
0xad: {  	s17 =	simm.s32 @!p0 $0x2800;
	v20 =	vadd.s32 @!p0 v12, v15  }
0xae: {  	s18 =	simm.s32 @!p0 $0x10800;
	v22 =	vadd.s32 @!p0 v12, v16;
	v21 =	vld.idx.msk @!p0 [tilespmem:v13+s17+$0x0], $0xffff;
	v13 =	vor.u32 @!p0 $0x1800, v10  }
0xaf: {  	v17 =	vld.idx.msk @!p0 [tilespmem:v17+s18+$0x0], $0xffff;
	v15 =	vadd.s32 @!p0 v13, v15  }
0xb0: {  	v18 =	vld.idx.msk @!p0 [tilespmem:v18+s17+$0x0], $0xffff;
	v16 =	vadd.s32 @!p0 v13, v16  }
0xb1: {  	v19 =	vld.idx.msk @!p0 [tilespmem:v19+s18+$0x0], $0xffff  }
0xb2: {  	v20 =	vld.idx.msk @!p0 [tilespmem:v20+s17+$0x0], $0xffff  }
0xb3: {  	v22 =	vld.idx.msk @!p0 [tilespmem:v22+s18+$0x0], $0xffff  }
0xb4: {  	v15 =	vld.idx.msk @!p0 [tilespmem:v15+s17+$0x0], $0xffff  }
0xb5: {  	v16 =	vld.idx.msk @!p0 [tilespmem:v16+s18+$0x0], $0xffff  }
0xb6: {  	v17 =	vmul.f32 @!p0 v17, v21;
	v18 =	vmul.f32 @!p0 v19, v18;
	_ =	sdelay $0x1  }
0xb7: {  	v17 =	vadd.f32 @!p0 v18, v17;
	v18 =	vmul.f32 @!p0 v22, v20;
	_ =	sdelay $0x1  }
0xb8: {  	v17 =	vadd.f32 @!p0 v18, v17;
	v15 =	vmul.f32 @!p0 v16, v15;
	_ =	sdelay $0x1  }
0xb9: {  	v15 =	vadd.f32 @!p0 v15, v17;
	_ =	sdelay $0x1  }
0xba: {  	(xrf2) =	vadd.scan.msk.f32 @!p0 $0xffff, v15;
	_ =	sdelay $0x7  }
0xbb: {  	s17 =	sadd.s32 @!p0 $0x7, s28  }
0xbc: {  	v15 =	vmov @!p0 s17  }
0xbd: {  	v16, _, _ =	vpop @!p0 (xrf2)  }
0xbe: {  	v16 =	vbroadcast @!p0 v16, $0xF  }
0xbf: {  	s18 =	simm.s32 @!p0 $0x1C800  }
0xc0: {  	[tilespmem:v14+s18+$0x0] =	vst.idx.msk @!p0 $0x1, v16  }
0xc1: {  	v14 =	vld.idx.msk @!p0 [tilespmem:v15+s20+$0x0], $0xffff;
	_ =	sdelay $0x3  }
0xc2: {  	v15 =	vld.idx.msk @!p0 [tilespmem:v15+s21+$0x0], $0xffff  }
0xc3: {  	(v2sf) =	vpush @!p0 v14, $0x0;
	_ =	sdelay $0x3  }
0xc4: {  	(v2sf) =	vpush @!p0 v15, $0x0;
	_ =	sdelay $0xa  }
0xc5: {  	s20 =	spop @!p0 (v2sf)  }
0xc6: {  	s20 =	sand.u32 @!p0 $0xFFFFF80, s20  }
0xc7: {  	s21 =	simm.s32 @!p0 $0x800;
	s20 =	sadd.s32 @!p0 s1, s20  }
0xc8: {  	[tilespmem:s21], [sflag:$0x1] =	stream.strided.gather @!p0 [hbm4b:s20+s30], $0x2000, s19, s30, $0x38;
	[tilespmem:$0x1CA00] =	vst v63  }
0xc9: {  	s20 =	spop @!p0 (v2sf)  }
0xca: {  	s20 =	sand.u32 @!p0 $0xFFFFF80, s20  }
0xcb: {  	s21 =	simm.s32 @!p0 $0xE800;
	s20 =	sadd.s32 @!p0 s2, s20  }
0xcc: {  	[tilespmem:s21], [sflag:$0x1] =	stream.strided.gather @!p0 [hbm4b:s20+s30], $0x2000, s19, s30, $0x38;
	[tilespmem:$0x1CA00] =	vst v63  }
0xcd: {  	s19 =	simm.s32 @!p0 $0x3  }
0xce: {  	s20 =	sadd.s32 @!p0 $0x2, s28;
	_ =	swait.ge @!p0 [sflag:s19], $0x2000  }
0xcf: {  	v14 =	vmov @!p0 s20;
	[sflag:s19] =	ssyncset.done @!p0 $0x0  }
0xd0: {  	[sflag:s19] =	ssyncadd.s32 @!p0 $0xFFFFE000  }
0xd1: {  	_ =	swait.ge @!p0 [sflag:s19], $0x2000  }
0xd2: {  	[sflag:s19] =	ssyncset.done @!p0 $0x0  }
0xd3: {  	[sflag:s19] =	ssyncadd.s32 @!p0 $0xFFFFE000  }
0xd4: {  	v15 =	vld.idx.msk @!p0 [tilespmem:v14+s30+$0x0], $0xffff  }
0xd5: {  	v16 =	vld.idx.msk @!p0 [tilespmem:v14+s16+$0x0], $0xffff;
	_ =	sdelay $0x3  }
0xd6: {  	v17 =	vadd.s32 @!p0 v10, v15  }
0xd7: {  	v18 =	vadd.s32 @!p0 v10, v16  }
0xd8: {  	v19 =	vadd.s32 @!p0 v11, v15  }
0xd9: {  	v20 =	vadd.s32 @!p0 v11, v16  }
0xda: {  	s19 =	simm.s32 @!p0 $0x4800;
	v21 =	vadd.s32 @!p0 v12, v15  }
0xdb: {  	s20 =	simm.s32 @!p0 $0x12800;
	v22 =	vadd.s32 @!p0 v12, v16;
	v17 =	vld.idx.msk @!p0 [tilespmem:v17+s19+$0x0], $0xffff  }
0xdc: {  	v15 =	vadd.s32 @!p0 v13, v15;
	v18 =	vld.idx.msk @!p0 [tilespmem:v18+s20+$0x0], $0xffff  }
0xdd: {  	v16 =	vadd.s32 @!p0 v13, v16;
	v19 =	vld.idx.msk @!p0 [tilespmem:v19+s19+$0x0], $0xffff  }
0xde: {  	v20 =	vld.idx.msk @!p0 [tilespmem:v20+s20+$0x0], $0xffff  }
0xdf: {  	v21 =	vld.idx.msk @!p0 [tilespmem:v21+s19+$0x0], $0xffff  }
0xe0: {  	v22 =	vld.idx.msk @!p0 [tilespmem:v22+s20+$0x0], $0xffff  }
0xe1: {  	v15 =	vld.idx.msk @!p0 [tilespmem:v15+s19+$0x0], $0xffff  }
0xe2: {  	v16 =	vld.idx.msk @!p0 [tilespmem:v16+s20+$0x0], $0xffff  }
0xe3: {  	v17 =	vmul.f32 @!p0 v18, v17;
	v18 =	vmul.f32 @!p0 v20, v19;
	_ =	sdelay $0x1  }
0xe4: {  	v17 =	vadd.f32 @!p0 v18, v17;
	v18 =	vmul.f32 @!p0 v22, v21;
	_ =	sdelay $0x1  }
0xe5: {  	v15 =	vmul.f32 @!p0 v16, v15;
	v17 =	vadd.f32 @!p0 v18, v17;
	_ =	sdelay $0x1  }
0xe6: {  	v15 =	vadd.f32 @!p0 v15, v17;
	_ =	sdelay $0x1  }
0xe7: {  	(xrf2) =	vadd.scan.msk.f32 @!p0 $0xffff, v15;
	_ =	sdelay $0x5  }
0xe8: {  	p1 =	sgt.u32 @!p0 s29, $0x47  }
0xe9: {  	p1 =	por p1, p0  }
0xea: {  	s19 =	sadd.s32 @!p1 $0x8, s28  }
0xeb: {  	v15 =	vmov @!p1 s19  }
0xec: {  	v16, _, _ =	vpop @!p0 (xrf2)  }
0xed: {  	v16 =	vbroadcast @!p0 v16, $0xF;
	_ =	sdelay $0x1  }
0xee: {  	s21 =	simm.s32 @!p1 $0x0;
	[tilespmem:v14+s18+$0x0] =	vst.idx.msk @!p0 $0x1, v16  }
0xef: {  	v14 =	vld.idx.msk @!p1 [tilespmem:v15+s21+$0x0], $0xffff;
	_ =	sdelay $0x2  }
0xf0: {  	s22 =	simm.s32 @!p1 $0x200  }
0xf1: {  	v15 =	vld.idx.msk @!p1 [tilespmem:v15+s22+$0x0], $0xffff  }
0xf2: {  	(v2sf) =	vpush @!p1 v14, $0x0;
	_ =	sdelay $0x3  }
0xf3: {  	(v2sf) =	vpush @!p1 v15, $0x0;
	_ =	sdelay $0xa  }
0xf4: {  	s19 =	spop @!p1 (v2sf)  }
0xf5: {  	s6 =	simm.s32 @!p1 $0x2800;
	s19 =	sand.u32 @!p1 $0xFFFFF80, s19  }
0xf6: {  	s20 =	simm.s32 @!p1 $0x7A1400;
	s5 =	sadd.s32 @!p1 s1, s19;
	s19 =	simm.s32 @!p1 $0x400  }
0xf7: {  	[tilespmem:s6], [sflag:$0x2] =	stream.strided.gather @!p1 [hbm4b:s5+s19], $0x2000, s20, s19, $0x38;
	[tilespmem:$0x1CA00] =	vst v63  }
0xf8: {  	s5 =	spop @!p1 (v2sf)  }
0xf9: {  	s5 =	sand.u32 @!p1 $0xFFFFF80, s5  }
0xfa: {  	s6 =	simm.s32 @!p1 $0x10800;
	s5 =	sadd.s32 @!p1 s2, s5  }
0xfb: {  	[tilespmem:s6], [sflag:$0x2] =	stream.strided.gather @!p1 [hbm4b:s5+s19], $0x2000, s20, s19, $0x38;
	[tilespmem:$0x1CA00] =	vst v63  }
0xfc: {  	s5 =	simm.s32 @!p0 $0x4  }
0xfd: {  	s6 =	sadd.s32 @!p0 $0x3, s28;
	_ =	swait.ge @!p0 [sflag:s5], $0x2000  }
0xfe: {  	v14 =	vmov @!p0 s6;
	[sflag:s5] =	ssyncset.done @!p0 $0x0  }
0xff: {  	[sflag:s5] =	ssyncadd.s32 @!p0 $0xFFFFE000  }
0x100: {  	_ =	swait.ge @!p0 [sflag:s5], $0x2000  }
0x101: {  	[sflag:s5] =	ssyncset.done @!p0 $0x0  }
0x102: {  	[sflag:s5] =	ssyncadd.s32 @!p0 $0xFFFFE000  }
0x103: {  	v15 =	vld.idx.msk @!p0 [tilespmem:v14+s30+$0x0], $0xffff  }
0x104: {  	v16 =	vld.idx.msk @!p0 [tilespmem:v14+s16+$0x0], $0xffff;
	_ =	sdelay $0x3  }
0x105: {  	v17 =	vadd.s32 @!p0 v10, v15  }
0x106: {  	v18 =	vadd.s32 @!p0 v10, v16  }
0x107: {  	v19 =	vadd.s32 @!p0 v11, v15  }
0x108: {  	v20 =	vadd.s32 @!p0 v11, v16  }
0x109: {  	s5 =	simm.s32 @!p0 $0x6800;
	v21 =	vadd.s32 @!p0 v12, v15  }
0x10a: {  	s6 =	simm.s32 @!p0 $0x14800;
	v22 =	vadd.s32 @!p0 v12, v16;
	v17 =	vld.idx.msk @!p0 [tilespmem:v17+s5+$0x0], $0xffff  }
0x10b: {  	v15 =	vadd.s32 @!p0 v13, v15;
	v18 =	vld.idx.msk @!p0 [tilespmem:v18+s6+$0x0], $0xffff  }
0x10c: {  	v16 =	vadd.s32 @!p0 v13, v16;
	v19 =	vld.idx.msk @!p0 [tilespmem:v19+s5+$0x0], $0xffff  }
0x10d: {  	v20 =	vld.idx.msk @!p0 [tilespmem:v20+s6+$0x0], $0xffff  }
0x10e: {  	v21 =	vld.idx.msk @!p0 [tilespmem:v21+s5+$0x0], $0xffff  }
0x10f: {  	v22 =	vld.idx.msk @!p0 [tilespmem:v22+s6+$0x0], $0xffff  }
0x110: {  	v15 =	vld.idx.msk @!p0 [tilespmem:v15+s5+$0x0], $0xffff  }
0x111: {  	v16 =	vld.idx.msk @!p0 [tilespmem:v16+s6+$0x0], $0xffff  }
0x112: {  	v17 =	vmul.f32 @!p0 v18, v17;
	v18 =	vmul.f32 @!p0 v20, v19;
	_ =	sdelay $0x1  }
0x113: {  	v17 =	vadd.f32 @!p0 v18, v17;
	v18 =	vmul.f32 @!p0 v22, v21;
	_ =	sdelay $0x1  }
0x114: {  	v15 =	vmul.f32 @!p0 v16, v15;
	v17 =	vadd.f32 @!p0 v18, v17;
	_ =	sdelay $0x1  }
0x115: {  	v15 =	vadd.f32 @!p0 v15, v17;
	_ =	sdelay $0x1  }
0x116: {  	(xrf2) =	vadd.scan.msk.f32 @!p0 $0xffff, v15;
	_ =	sdelay $0x7  }
0x117: {  	s5 =	sadd.s32 @!p1 $0x9, s28  }
0x118: {  	v15 =	vmov @!p1 s5  }
0x119: {  	v16, _, _ =	vpop @!p0 (xrf2)  }
0x11a: {  	v16 =	vbroadcast @!p0 v16, $0xF;
	_ =	sdelay $0x1  }
0x11b: {  	[tilespmem:v14+s18+$0x0] =	vst.idx.msk @!p0 $0x1, v16  }
0x11c: {  	v14 =	vld.idx.msk @!p1 [tilespmem:v15+s21+$0x0], $0xffff;
	_ =	sdelay $0x3  }
0x11d: {  	v15 =	vld.idx.msk @!p1 [tilespmem:v15+s22+$0x0], $0xffff  }
0x11e: {  	(v2sf) =	vpush @!p1 v14, $0x0;
	_ =	sdelay $0x3  }
0x11f: {  	(v2sf) =	vpush @!p1 v15, $0x0;
	_ =	sdelay $0xa  }
0x120: {  	s5 =	spop @!p1 (v2sf)  }
0x121: {  	s5 =	sand.u32 @!p1 $0xFFFFF80, s5  }
0x122: {  	s6 =	simm.s32 @!p1 $0x4800;
	s5 =	sadd.s32 @!p1 s1, s5  }
0x123: {  	[tilespmem:s6], [sflag:$0x3] =	stream.strided.gather @!p1 [hbm4b:s5+s19], $0x2000, s20, s19, $0x38;
	[tilespmem:$0x1CA00] =	vst v63  }
0x124: {  	s5 =	spop @!p1 (v2sf)  }
0x125: {  	s5 =	sand.u32 @!p1 $0xFFFFF80, s5  }
0x126: {  	s6 =	simm.s32 @!p1 $0x12800;
	s5 =	sadd.s32 @!p1 s2, s5  }
0x127: {  	[tilespmem:s6], [sflag:$0x3] =	stream.strided.gather @!p1 [hbm4b:s5+s19], $0x2000, s20, s19, $0x38;
	[tilespmem:$0x1CA00] =	vst v63  }
0x128: {  	s5 =	simm.s32 @!p0 $0x5  }
0x129: {  	s6 =	sadd.s32 @!p0 $0x4, s28;
	_ =	swait.ge @!p0 [sflag:s5], $0x2000  }
0x12a: {  	v14 =	vmov @!p0 s6;
	[sflag:s5] =	ssyncset.done @!p0 $0x0  }
0x12b: {  	[sflag:s5] =	ssyncadd.s32 @!p0 $0xFFFFE000  }
0x12c: {  	_ =	swait.ge @!p0 [sflag:s5], $0x2000  }
0x12d: {  	[sflag:s5] =	ssyncset.done @!p0 $0x0  }
0x12e: {  	[sflag:s5] =	ssyncadd.s32 @!p0 $0xFFFFE000  }
0x12f: {  	v15 =	vld.idx.msk @!p0 [tilespmem:v14+s30+$0x0], $0xffff  }
0x130: {  	v16 =	vld.idx.msk @!p0 [tilespmem:v14+s16+$0x0], $0xffff;
	_ =	sdelay $0x3  }
0x131: {  	v17 =	vadd.s32 @!p0 v10, v15  }
0x132: {  	v18 =	vadd.s32 @!p0 v10, v16  }
0x133: {  	v19 =	vadd.s32 @!p0 v11, v15  }
0x134: {  	v20 =	vadd.s32 @!p0 v11, v16  }
0x135: {  	s5 =	simm.s32 @!p0 $0x8800;
	v21 =	vadd.s32 @!p0 v12, v15  }
0x136: {  	s6 =	simm.s32 @!p0 $0x16800;
	v22 =	vadd.s32 @!p0 v12, v16;
	v17 =	vld.idx.msk @!p0 [tilespmem:v17+s5+$0x0], $0xffff  }
0x137: {  	v15 =	vadd.s32 @!p0 v13, v15;
	v18 =	vld.idx.msk @!p0 [tilespmem:v18+s6+$0x0], $0xffff  }
0x138: {  	v16 =	vadd.s32 @!p0 v13, v16;
	v19 =	vld.idx.msk @!p0 [tilespmem:v19+s5+$0x0], $0xffff  }
0x139: {  	v20 =	vld.idx.msk @!p0 [tilespmem:v20+s6+$0x0], $0xffff  }
0x13a: {  	v21 =	vld.idx.msk @!p0 [tilespmem:v21+s5+$0x0], $0xffff  }
0x13b: {  	v22 =	vld.idx.msk @!p0 [tilespmem:v22+s6+$0x0], $0xffff  }
0x13c: {  	v15 =	vld.idx.msk @!p0 [tilespmem:v15+s5+$0x0], $0xffff  }
0x13d: {  	v16 =	vld.idx.msk @!p0 [tilespmem:v16+s6+$0x0], $0xffff  }
0x13e: {  	v17 =	vmul.f32 @!p0 v18, v17;
	v18 =	vmul.f32 @!p0 v20, v19;
	_ =	sdelay $0x1  }
0x13f: {  	v17 =	vadd.f32 @!p0 v18, v17;
	v18 =	vmul.f32 @!p0 v22, v21;
	_ =	sdelay $0x1  }
0x140: {  	v15 =	vmul.f32 @!p0 v16, v15;
	v17 =	vadd.f32 @!p0 v18, v17;
	_ =	sdelay $0x1  }
0x141: {  	v15 =	vadd.f32 @!p0 v15, v17;
	_ =	sdelay $0x1  }
0x142: {  	(xrf2) =	vadd.scan.msk.f32 @!p0 $0xffff, v15;
	_ =	sdelay $0x7  }
0x143: {  	s5 =	sadd.s32 @!p1 $0xA, s28  }
0x144: {  	v15 =	vmov @!p1 s5  }
0x145: {  	v16, _, _ =	vpop @!p0 (xrf2)  }
0x146: {  	v16 =	vbroadcast @!p0 v16, $0xF;
	_ =	sdelay $0x1  }
0x147: {  	[tilespmem:v14+s18+$0x0] =	vst.idx.msk @!p0 $0x1, v16  }
0x148: {  	v14 =	vld.idx.msk @!p1 [tilespmem:v15+s21+$0x0], $0xffff;
	_ =	sdelay $0x3  }
0x149: {  	v15 =	vld.idx.msk @!p1 [tilespmem:v15+s22+$0x0], $0xffff  }
0x14a: {  	(v2sf) =	vpush @!p1 v14, $0x0;
	_ =	sdelay $0x3  }
0x14b: {  	(v2sf) =	vpush @!p1 v15, $0x0;
	_ =	sdelay $0xa  }
0x14c: {  	s5 =	spop @!p1 (v2sf)  }
0x14d: {  	s5 =	sand.u32 @!p1 $0xFFFFF80, s5  }
0x14e: {  	s6 =	simm.s32 @!p1 $0x6800;
	s5 =	sadd.s32 @!p1 s1, s5  }
0x14f: {  	[tilespmem:s6], [sflag:$0x4] =	stream.strided.gather @!p1 [hbm4b:s5+s19], $0x2000, s20, s19, $0x38;
	[tilespmem:$0x1CA00] =	vst v63  }
0x150: {  	s5 =	spop @!p1 (v2sf)  }
0x151: {  	s5 =	sand.u32 @!p1 $0xFFFFF80, s5  }
0x152: {  	s6 =	simm.s32 @!p1 $0x14800;
	s5 =	sadd.s32 @!p1 s2, s5  }
0x153: {  	[tilespmem:s6], [sflag:$0x4] =	stream.strided.gather @!p1 [hbm4b:s5+s19], $0x2000, s20, s19, $0x38;
	[tilespmem:$0x1CA00] =	vst v63  }
0x154: {  	s5 =	simm.s32 @!p0 $0x6  }
0x155: {  	_ =	swait.ge @!p0 [sflag:s5], $0x2000  }
0x156: {  	[sflag:s5] =	ssyncset.done @!p0 $0x0  }
0x157: {  	[sflag:s5] =	ssyncadd.s32 @!p0 $0xFFFFE000  }
0x158: {  	_ =	swait.ge @!p0 [sflag:s5], $0x2000  }
0x159: {  	[sflag:s5] =	ssyncset.done @!p0 $0x0  }
0x15a: {  	[sflag:s5] =	ssyncadd.s32 @!p0 $0xFFFFE000  }
0x15b: {  	v14 =	vld.idx.msk @!p0 [tilespmem:v8+s30+$0x0], $0xffff  }
0x15c: {  	v15 =	vld.idx.msk @!p0 [tilespmem:v8+s16+$0x0], $0xffff;
	_ =	sdelay $0x3  }
0x15d: {  	v16 =	vadd.s32 @!p0 v10, v14  }
0x15e: {  	v17 =	vadd.s32 @!p0 v10, v15  }
0x15f: {  	v18 =	vadd.s32 @!p0 v11, v14  }
0x160: {  	v19 =	vadd.s32 @!p0 v11, v15  }
0x161: {  	v20 =	vadd.s32 @!p0 v12, v14  }
0x162: {  	v21 =	vadd.s32 @!p0 v12, v15;
	v16 =	vld.idx.msk @!p0 [tilespmem:v16+s31+$0x0], $0xffff  }
0x163: {  	v14 =	vadd.s32 @!p0 v13, v14;
	v17 =	vld.idx.msk @!p0 [tilespmem:v17+s3+$0x0], $0xffff  }
0x164: {  	v15 =	vadd.s32 @!p0 v13, v15;
	v18 =	vld.idx.msk @!p0 [tilespmem:v18+s31+$0x0], $0xffff  }
0x165: {  	v19 =	vld.idx.msk @!p0 [tilespmem:v19+s3+$0x0], $0xffff  }
0x166: {  	v20 =	vld.idx.msk @!p0 [tilespmem:v20+s31+$0x0], $0xffff  }
0x167: {  	v21 =	vld.idx.msk @!p0 [tilespmem:v21+s3+$0x0], $0xffff  }
0x168: {  	v14 =	vld.idx.msk @!p0 [tilespmem:v14+s31+$0x0], $0xffff  }
0x169: {  	v15 =	vld.idx.msk @!p0 [tilespmem:v15+s3+$0x0], $0xffff  }
0x16a: {  	v16 =	vmul.f32 @!p0 v17, v16;
	v17 =	vmul.f32 @!p0 v19, v18;
	_ =	sdelay $0x1  }
0x16b: {  	v16 =	vadd.f32 @!p0 v17, v16;
	v17 =	vmul.f32 @!p0 v21, v20;
	_ =	sdelay $0x1  }
0x16c: {  	v14 =	vmul.f32 @!p0 v15, v14;
	v16 =	vadd.f32 @!p0 v17, v16;
	_ =	sdelay $0x1  }
0x16d: {  	v14 =	vadd.f32 @!p0 v14, v16;
	_ =	sdelay $0x1  }
0x16e: {  	(xrf2) =	vadd.scan.msk.f32 @!p0 $0xffff, v14;
	_ =	sdelay $0x7  }
0x16f: {  	s3 =	sadd.s32 @!p1 $0xB, s28  }
0x170: {  	v14 =	vmov @!p1 s3  }
0x171: {  	v15, _, _ =	vpop @!p0 (xrf2)  }
0x172: {  	v15 =	vbroadcast @!p0 v15, $0xF;
	_ =	sdelay $0x1  }
0x173: {  	[tilespmem:v8+s18+$0x0] =	vst.idx.msk @!p0 $0x1, v15  }
0x174: {  	v8 =	vld.idx.msk @!p1 [tilespmem:v14+s21+$0x0], $0xffff;
	_ =	sdelay $0x3  }
0x175: {  	v14 =	vld.idx.msk @!p1 [tilespmem:v14+s22+$0x0], $0xffff  }
0x176: {  	(v2sf) =	vpush @!p1 v8, $0x0;
	_ =	sdelay $0x3  }
0x177: {  	(v2sf) =	vpush @!p1 v14, $0x0;
	_ =	sdelay $0xa  }
0x178: {  	s3 =	spop @!p1 (v2sf)  }
0x179: {  	s3 =	sand.u32 @!p1 $0xFFFFF80, s3  }
0x17a: {  	s5 =	simm.s32 @!p1 $0x8800;
	s3 =	sadd.s32 @!p1 s1, s3  }
0x17b: {  	[tilespmem:s5], [sflag:$0x5] =	stream.strided.gather @!p1 [hbm4b:s3+s19], $0x2000, s20, s19, $0x38;
	[tilespmem:$0x1CA00] =	vst v63  }
0x17c: {  	s3 =	spop @!p1 (v2sf)  }
0x17d: {  	s3 =	sand.u32 @!p1 $0xFFFFF80, s3  }
0x17e: {  	s5 =	simm.s32 @!p1 $0x16800;
	s3 =	sadd.s32 @!p1 s2, s3  }
0x17f: {  	[tilespmem:s5], [sflag:$0x5] =	stream.strided.gather @!p1 [hbm4b:s3+s19], $0x2000, s20, s19, $0x38;
	[tilespmem:$0x1CA00] =	vst v63  }
0x180: {  	s3 =	simm.s32 @!p0 $0x7  }
0x181: {  	_ =	swait.ge @!p0 [sflag:s3], $0x2000  }
0x182: {  	[sflag:s3] =	ssyncset.done @!p0 $0x0  }
0x183: {  	[sflag:s3] =	ssyncadd.s32 @!p0 $0xFFFFE000  }
0x184: {  	_ =	swait.ge @!p0 [sflag:s3], $0x2000  }
0x185: {  	[sflag:s3] =	ssyncset.done @!p0 $0x0  }
0x186: {  	[sflag:s3] =	ssyncadd.s32 @!p0 $0xFFFFE000  }
0x187: {  	v8 =	vld.idx.msk @!p0 [tilespmem:v9+s30+$0x0], $0xffff  }
0x188: {  	v14 =	vld.idx.msk @!p0 [tilespmem:v9+s16+$0x0], $0xffff;
	_ =	sdelay $0x3  }
0x189: {  	v15 =	vadd.s32 @!p0 v10, v8  }
0x18a: {  	v10 =	vadd.s32 @!p0 v10, v14  }
0x18b: {  	v16 =	vadd.s32 @!p0 v11, v8  }
0x18c: {  	v11 =	vadd.s32 @!p0 v11, v14  }
0x18d: {  	v17 =	vadd.s32 @!p0 v12, v8  }
0x18e: {  	v12 =	vadd.s32 @!p0 v12, v14;
	v15 =	vld.idx.msk @!p0 [tilespmem:v15+s0+$0x0], $0xffff  }
0x18f: {  	v8 =	vadd.s32 @!p0 v13, v8;
	v10 =	vld.idx.msk @!p0 [tilespmem:v10+s15+$0x0], $0xffff  }
0x190: {  	v13 =	vadd.s32 @!p0 v13, v14;
	v16 =	vld.idx.msk @!p0 [tilespmem:v16+s0+$0x0], $0xffff  }
0x191: {  	v11 =	vld.idx.msk @!p0 [tilespmem:v11+s15+$0x0], $0xffff  }
0x192: {  	v14 =	vld.idx.msk @!p0 [tilespmem:v17+s0+$0x0], $0xffff  }
0x193: {  	v12 =	vld.idx.msk @!p0 [tilespmem:v12+s15+$0x0], $0xffff  }
0x194: {  	v8 =	vld.idx.msk @!p0 [tilespmem:v8+s0+$0x0], $0xffff  }
0x195: {  	v13 =	vld.idx.msk @!p0 [tilespmem:v13+s15+$0x0], $0xffff  }
0x196: {  	v10 =	vmul.f32 @!p0 v10, v15;
	v11 =	vmul.f32 @!p0 v11, v16;
	_ =	sdelay $0x1  }
0x197: {  	v10 =	vadd.f32 @!p0 v11, v10;
	v11 =	vmul.f32 @!p0 v12, v14;
	_ =	sdelay $0x1  }
0x198: {  	v8 =	vmul.f32 @!p0 v13, v8;
	v10 =	vadd.f32 @!p0 v11, v10;
	_ =	sdelay $0x1  }
0x199: {  	v8 =	vadd.f32 @!p0 v8, v10;
	_ =	sdelay $0x1  }
0x19a: {  	(xrf2) =	vadd.scan.msk.f32 @!p0 $0xffff, v8;
	_ =	sdelay $0x6  }
0x19b: {  	p1 =	sne.s32 @!p0 s17, $0x206  }
0x19c: {  	p1 =	por p0, !p1  }
.Ltmp1:
0x19d: {  	_ = 	snop;
	(pc) =	sbr.rel @!p1 .LBB2_4-.Ltmp1, $3  }
0x19e: {  	v8, _, _ =	vpop @!p0 (xrf2)  }
0x19f: {  	v8 =	vbroadcast @!p0 v8, $0xF;
	_ =	sdelay $0x1  }
0x1a0: {  	s29 =	sadd.s32 @!p0 $0x1, s29;
	s28 =	smov.u32 s17;
	[tilespmem:v9+s18+$0x0] =	vst.idx.msk @!p0 $0x1, v8  }
0x1a1: {  	s26 =	sadd.s32 $0x1, s26  }
0x1a2: {  	p0 =	sne.s32 s26, s8  }
.Ltmp2:
0x1a3: {  	_ = 	snop;
	(pc) =	sbr.rel @p0 .LBB2_1-.Ltmp2, $4  }
0x1a4: {  	[hbm4b:s7+s4] =	stream.linear.scatter [tilespmem:s25], [sflag:$0x8], $0x200, $0x38;
	[tilespmem:$0x1CA00] =	vst v63  }
0x1a5: {  	_ =	swait.ge [sflag:s9], $0x200  }
0x1a6: {  	[sflag:s9] =	ssyncset.done $0x0  }
0x1a7: {  	[sflag:s9] =	ssyncadd.s32 $0xFFFFFE00  }
0x1a8: {  	_ =	sfence.sel $0x180000  }
0x1a9: {  	[bflag:$0x0] =	sbarrier.arrive $0xFFFF  }
0x1aa: {  	_ =	strace $0x90000047  }
0x1ab: {  	s0 =	stileid.u32;
	[bflag:$0x2] =	sbarrier.arrive $0xFFFF  }
0x1ac: {  	p0 =	sne.s32 s0, $0x0;
	s0 =	rddreg [dreg:$0x5]  }
0x1ad: {  	s0 =	sadd.s32 @!p0 $0x100000, s0  }
0x1ae: {  	[sflag:s0] =	ssyncadd.tile.s32 @!p0 $0x1;
	_ =	shalt  }
.Lfunc_end2:
_tile_overlayer_lowered:
.L_overlay_start_2:
0x1af: {  	(tag) =	ssettag $0x2  }
0x1b0: {  	s0 =	rddreg [dreg:$0x0];
	s2 =	stileid.u32  }
0x1b1: {  	s1 =	rddreg [dreg:$0x1];
	p0 =	sne.s32 s2, $0x0  }
0x1b2: {  	s3 =	rddreg [dreg:$0x2];
	[bflag:$0x3] =	sbarrier.arrive $0xFFFF;
	s2 =	simm.s32 @!p0 $0x1C08  }
0x1b3: {  	[timem:s3], [sflag:s2] =	dma.local @!p0 [hbm:s0], s1  }
0x1b4: {  	s0 =	simm.s32 @!p0 $0x8  }
0x1b5: {  	_ =	swait.ge @!p0 [sflag:s0], s1  }
0x1b6: {  	s1 =	ssub.s32 @!p0 $0x0, s1;
	[sflag:s0] =	ssyncset.done @!p0 $0x0  }
0x1b7: {  	[sflag:s0] =	ssyncadd.s32 @!p0 s1  }
0x1b8: {  	[bflag:$0x3] =	sbarrier.arrive $0xFFFF  }
0x1b9: {  	_ =	shalt  }

</sc_bundles>
